<compile_context>
chip_gen: v7x
topology: tpu7x:2x2x1
jax: 0.10.2.dev20260603
libtpu: 0.0.44.dev20260713+nightly
codegen_flags: <defaults>
</compile_context>

<pallas_src>
import functools

import jax
import jax.numpy as jnp
from jax import lax
from jax.experimental import pallas as pl
from jax.experimental.pallas import tpu as pltpu
from jax.experimental.pallas import tpu_sc as plsc

_L = 16
_U = 8


def _rsqrt_nr(x):
    i = lax.bitcast_convert_type(x, jnp.int32)
    i = jnp.int32(0x5F3759DF) - lax.shift_right_logical(i, 1)
    y = lax.bitcast_convert_type(i, jnp.float32)
    hx = 0.5 * x
    for _ in range(4):
        y = y * (1.5 - hx * y * y)
    return y


def _scale(nrm2):
    nc = jnp.maximum(nrm2, 1e-12)
    n = nc * _rsqrt_nr(nc)
    return jnp.minimum(1.0, 2.0 / (n + 1e-7))


def _sc_body(S, RPW, DK, DT, TT0, W0, B0,
             rna_flat, ids, tab,
             out,
             ids_v, idx_v, tok_v, tab_v, y_v,
             sem_a, sem_b, sem_c):
    wid = lax.axis_index("s")
    base = wid * RPW
    NG = RPW // _L

    ca = pltpu.async_copy(ids.at[pl.ds(base * 2, RPW * 2)], ids_v, sem_a)
    cb = pltpu.async_copy(tab, tab_v, sem_b)
    ca.wait()

    lane = jnp.arange(_L, dtype=jnp.int32)
    lane2 = lane * 2
    for g in range(NG):
        lens_g = plsc.load_gather(ids_v, [lane2 + (g * 2 * _L)])
        row = base + g * _L + lane
        idx_v[pl.ds(g * _L, _L)] = row * S + lens_g - 1

    ct = pltpu.async_copy(rna_flat.at[idx_v], tok_v, sem_c)
    cb.wait()

    bias = tab_v[pl.ds(B0, _L)]
    zero = jnp.zeros((_L,), jnp.float32)
    zi = jnp.zeros((_L,), jnp.int32)

    def _treesum(xs):
        while len(xs) > 1:
            xs = [a + b for a, b in zip(xs[0::2], xs[1::2])] + (
                [xs[-1]] if len(xs) % 2 else [])
        return xs[0]

    trow_base = [
        plsc.load_gather(ids_v, [lane2 + (g * 2 * _L + 1)]) * DT + TT0
        for g in range(NG)
    ]

    def _dot_loop(bases, woff, nsteps):
        def body(j, carry):
            d0 = j * _U
            wds = [plsc.load_gather(tab_v, [zi + (W0 + woff + d0 + u)])
                   for u in range(_U)]
            new = []
            it = iter(carry)
            for rb in bases:
                dot, nrm = next(it), next(it)
                vs = [plsc.load_gather(tab_v, [rb + (d0 + u)])
                      for u in range(_U)]
                dot = dot + _treesum([v * w for v, w in zip(vs, wds)])
                nrm = nrm + _treesum([v * v for v in vs])
                new += [dot, nrm]
            return tuple(new)

        res = lax.fori_loop(0, nsteps, body, (zero,) * (2 * len(bases)))
        return [(res[2 * i], res[2 * i + 1]) for i in range(len(bases))]

    tis_acc = _dot_loop(trow_base, DK, DT // _U)

    ct.wait()
    tok_g = [tok_v[pl.ds(g * _L, _L)] for g in range(NG)]
    srow_base = [t * DK for t in tok_g]
    seq_acc = _dot_loop(srow_base, 0, DK // _U)

    for g in range(NG):
        dot_s, nrm_s = seq_acc[g]
        dot_t, nrm_t = tis_acc[g]
        val = dot_s * _scale(nrm_s) + dot_t * _scale(nrm_t)
        y_v[pl.ds(g * _L, _L)] = jnp.where(tok_g[g] != 0, val, 0.0) + bias

    pltpu.sync_copy(y_v, out.at[pl.ds(base, RPW)])


def kernel(rna_data_pad, tissue_id, seq_lengths, tissue_table, seq_table,
           W_pred, b_pred):
    B, S = rna_data_pad.shape
    VOCAB, DK = seq_table.shape
    NT, DT = tissue_table.shape
    NW = 16
    RPW = B // NW

    rna_flat = rna_data_pad.reshape(B * S)
    ids = jnp.stack([seq_lengths, tissue_id], axis=1).reshape(2 * B)
    TT0 = VOCAB * DK
    W0 = TT0 + NT * DT
    B0 = W0 + DK + DT
    tab = jnp.concatenate([
        seq_table.reshape(-1),
        tissue_table.reshape(-1),
        W_pred.reshape(-1),
        jnp.broadcast_to(b_pred, (_L,)),
    ])

    mesh = plsc.VectorSubcoreMesh(core_axis_name="c", subcore_axis_name="s",
                                  num_cores=1)
    run = pl.kernel(
        functools.partial(_sc_body, S, RPW, DK, DT, TT0, W0, B0),
        mesh=mesh,
        out_type=jax.ShapeDtypeStruct((B,), jnp.float32),
        compiler_params=pltpu.CompilerParams(needs_layout_passes=False),
        scratch_types=[
            pltpu.VMEM((2 * RPW,), jnp.int32),
            pltpu.VMEM((RPW,), jnp.int32),
            pltpu.VMEM((RPW,), jnp.int32),
            pltpu.VMEM((B0 + _L,), jnp.float32),
            pltpu.VMEM((RPW,), jnp.float32),
            pltpu.SemaphoreType.DMA,
            pltpu.SemaphoreType.DMA,
            pltpu.SemaphoreType.DMA,
        ],
    )
    y = run(rna_flat, ids, tab)
    return y.reshape(B, 1)

# --- scband reference (transcript-rebuilt; emitter-appended) ---
"""Pipeline reference for scband-model-jamba-38354057953798 (READ-ONLY COPY).

The authoritative reference and input builder live on the scoring server;
editing this copy changes nothing except your own understanding.
"""

import jax, jax.numpy as jnp
import numpy as np

MAX_NORM = 2.0

def _renorm(emb, max_norm=MAX_NORM, eps=1e-7):
    # torch nn.Embedding(max_norm=2): looked-up rows renormalized to max L2 norm 2
    n = jnp.linalg.norm(emb, axis=-1, keepdims=True)
    scale = jnp.minimum(1.0, max_norm / (n + eps))
    return emb * jax.lax.stop_gradient(scale)

def setup_inputs(seed: int = 0) -> dict:
    key = jax.random.key(seed)
    ks = jax.random.split(key, 8)
    B, S = 1024, 512
    N_TISSUES = 30            # len(TISSUES)
    VOCAB = 65                # len(CODON_MAP_DNA) + 1, padding_idx=0
    DT, DK = 32, 96           # dim_embedding_tissue, dim_embedding_token
    D = DT + DK
    rna_data_pad = jax.random.randint(ks[0], (B, S), 0, VOCAB, dtype=jnp.int32)
    tissue_id = jax.random.randint(ks[1], (B,), 0, N_TISSUES, dtype=jnp.int32)
    seq_lengths = jax.random.randint(ks[2], (B,), 1, S + 1, dtype=jnp.int32)
    tissue_table = jax.random.normal(ks[3], (N_TISSUES, DT), dtype=jnp.float32)
    seq_table = jax.random.normal(ks[4], (VOCAB, DK), dtype=jnp.float32)
    seq_table = seq_table.at[0].set(0.0)  # padding_idx row
    W_pred = jax.random.normal(ks[5], (D, 1), dtype=jnp.float32) * (1.0 / np.sqrt(D))
    b_pred = jnp.zeros((1,), dtype=jnp.float32)
    return {
        'rna_data_pad': rna_data_pad,
        'tissue_id': tissue_id,
        'seq_lengths': seq_lengths,
        'tissue_table': tissue_table,
        'seq_table': seq_table,
        'W_pred': W_pred,
        'b_pred': b_pred,
    }

def reference(rna_data_pad, tissue_id, seq_lengths, tissue_table, seq_table, W_pred, b_pred):
    B, S = rna_data_pad.shape
    # embedding lookups (SparseCore gathers)
    tissue_emb = _renorm(jnp.take(tissue_table, tissue_id, axis=0))          # [B, DT]
    seq_emb = _renorm(jnp.take(seq_table, rna_data_pad, axis=0))             # [B, S, DK]
    tissue_exp = jnp.broadcast_to(tissue_emb[:, None, :], (B, S, tissue_emb.shape[-1]))
    combined = jnp.concatenate([seq_emb, tissue_exp], axis=2)                # [B, S, D]
    attention_mask = (rna_data_pad != 0)[:, :, None].astype(combined.dtype)
    x = combined * attention_mask
    # depth=0: model_layers is empty (JambaBlock stack skipped)
    idx = seq_lengths - 1
    out_last = x[jnp.arange(B), idx]                                         # gather last valid token [B, D]
    y_pred = out_last @ W_pred + b_pred                                      # Predictor head
    return y_pred

if __name__ == "__main__":
    import jax
    _d = setup_inputs()
    print(jax.jit(kernel)(*tuple(_d.values())))

</pallas_src>

<mosaic_0001>
#map = affine_map<(d0, d1) -> (0)>
module attributes {stable_mosaic.version = 14 : i64} {
  func.func @_sc_body(%arg0: i32, %arg1: i32, %arg2: memref<524288xi32, #tpu.memory_space<hbm>>, %arg3: memref<2048xi32, #tpu.memory_space<hbm>>, %arg4: memref<7344xf32, #tpu.memory_space<hbm>>, %arg5: memref<1024xf32, #tpu.memory_space<hbm>>, %arg6: memref<128xi32, #tpu.memory_space<vmem>>, %arg7: memref<64xi32, #tpu.memory_space<vmem>>, %arg8: memref<64xi32, #tpu.memory_space<vmem>>, %arg9: memref<7344xf32, #tpu.memory_space<vmem>>, %arg10: memref<64xf32, #tpu.memory_space<vmem>>, %arg11: memref<!tpu.dma_semaphore, #tpu.memory_space<semaphore_mem>>, %arg12: memref<!tpu.dma_semaphore, #tpu.memory_space<semaphore_mem>>, %arg13: memref<!tpu.dma_semaphore, #tpu.memory_space<semaphore_mem>>) attributes {dimension_semantics = [#tpu.dimension_semantics<core_parallel>, #tpu.dimension_semantics<subcore_parallel>], iteration_bounds = array<i64: 1, 16>, scalar_prefetch = 0 : i64, scratch_operands = 8 : i64, tpu.core_type = #tpu.core_type<sc_vector_subcore>, window_params = [{transform_indices = #map}, {transform_indices = #map}, {transform_indices = #map}, {transform_indices = #map}]} {
    %mul3A = arith.constant 64 : i32
    %mul3A_0 = arith.muli %arg1, %mul3A : i32
    %mul3A_1 = arith.constant 2 : i32
    %mul3A_2 = arith.muli %mul3A_0, %mul3A_1 : i32
    %dma_start3A = tpu.memref_slice %arg3[%mul3A_2] : memref<2048xi32, #tpu.memory_space<hbm>> -> memref<128xi32, #tpu.memory_space<hbm>>
    %dma_start3A_3 = tpu.memref_slice %arg3[%mul3A_2] : memref<2048xi32, #tpu.memory_space<hbm>> -> memref<128xi32, #tpu.memory_space<hbm>>
    tpu.enqueue_dma source(%dma_start3A_3 : memref<128xi32, #tpu.memory_space<hbm>>) target(%arg6 : memref<128xi32, #tpu.memory_space<vmem>>) target_semaphore(%arg11 : memref<!tpu.dma_semaphore, #tpu.memory_space<semaphore_mem>>)
    tpu.enqueue_dma source(%arg4 : memref<7344xf32, #tpu.memory_space<hbm>>) target(%arg9 : memref<7344xf32, #tpu.memory_space<vmem>>) target_semaphore(%arg12 : memref<!tpu.dma_semaphore, #tpu.memory_space<semaphore_mem>>)
    %dma_wait3A = tpu.memref_slice %arg3[%mul3A_2] : memref<2048xi32, #tpu.memory_space<hbm>> -> memref<128xi32, #tpu.memory_space<hbm>>
    %dma_wait3A_4 = tpu.memref_slice %arg3[%mul3A_2] : memref<2048xi32, #tpu.memory_space<hbm>> -> memref<128xi32, #tpu.memory_space<hbm>>
    tpu.wait_dma2 semaphore(%arg11 : memref<!tpu.dma_semaphore, #tpu.memory_space<semaphore_mem>>) src(%dma_wait3A_4 : memref<128xi32, #tpu.memory_space<hbm>>) dst(%arg6 : memref<128xi32, #tpu.memory_space<vmem>>)
    %iota3A = tpu.iota {dimensions = array<i32: 0>} : vector<16xi32>
    %mul3A_5 = arith.constant 2 : i32
    %mul3A_6 = vector.broadcast %mul3A_5 : i32 to vector<16xi32>
    %mul3A_7 = arith.muli %iota3A, %mul3A_6 : vector<16xi32>
    %add3A = arith.constant 0 : i32
    %add3A_8 = vector.broadcast %add3A : i32 to vector<16xi32>
    %add3A_9 = arith.addi %mul3A_7, %add3A_8 : vector<16xi32>
    %gather3A = tpu.vector_load_idx %arg6[%add3A_9] : memref<128xi32, #tpu.memory_space<vmem>>[vector<16xi32>], vector<16xi32>,
    %add3A_10 = arith.constant 0 : i32
    %add3A_11 = arith.addi %mul3A_0, %add3A_10 : i32
    %add3A_12 = vector.broadcast %add3A_11 : i32 to vector<16xi32>
    %add3A_13 = arith.addi %add3A_12, %iota3A : vector<16xi32>
    %mul3A_14 = arith.constant 512 : i32
    %mul3A_15 = vector.broadcast %mul3A_14 : i32 to vector<16xi32>
    %mul3A_16 = arith.muli %add3A_13, %mul3A_15 : vector<16xi32>
    %add3A_17 = arith.addi %mul3A_16, %gather3A : vector<16xi32>
    %sub3A = arith.constant 1 : i32
    %sub3A_18 = vector.broadcast %sub3A : i32 to vector<16xi32>
    %sub3A_19 = arith.subi %add3A_17, %sub3A_18 : vector<16xi32>
    %swap3A = arith.constant 0 : index
    %swap3A_20 = tpu.vector_load %arg7[%swap3A] {strides = array<i32>} : memref<64xi32, #tpu.memory_space<vmem>>, vector<16xi32>,
    tpu.vector_store %arg7[%swap3A], %sub3A_19 {strides = array<i32>} : memref<64xi32, #tpu.memory_space<vmem>>, vector<16xi32>,
    %add3A_21 = arith.constant 32 : i32
    %add3A_22 = vector.broadcast %add3A_21 : i32 to vector<16xi32>
    %add3A_23 = arith.addi %mul3A_7, %add3A_22 : vector<16xi32>
    %gather3A_24 = tpu.vector_load_idx %arg6[%add3A_23] : memref<128xi32, #tpu.memory_space<vmem>>[vector<16xi32>], vector<16xi32>,
    %add3A_25 = arith.constant 16 : i32
    %add3A_26 = arith.addi %mul3A_0, %add3A_25 : i32
    %add3A_27 = vector.broadcast %add3A_26 : i32 to vector<16xi32>
    %add3A_28 = arith.addi %add3A_27, %iota3A : vector<16xi32>
    %mul3A_29 = arith.constant 512 : i32
    %mul3A_30 = vector.broadcast %mul3A_29 : i32 to vector<16xi32>
    %mul3A_31 = arith.muli %add3A_28, %mul3A_30 : vector<16xi32>
    %add3A_32 = arith.addi %mul3A_31, %gather3A_24 : vector<16xi32>
    %sub3A_33 = arith.constant 1 : i32
    %sub3A_34 = vector.broadcast %sub3A_33 : i32 to vector<16xi32>
    %sub3A_35 = arith.subi %add3A_32, %sub3A_34 : vector<16xi32>
    %swap3A_36 = arith.constant 16 : index
    %swap3A_37 = tpu.vector_load %arg7[%swap3A_36] {strides = array<i32>} : memref<64xi32, #tpu.memory_space<vmem>>, vector<16xi32>,
    tpu.vector_store %arg7[%swap3A_36], %sub3A_35 {strides = array<i32>} : memref<64xi32, #tpu.memory_space<vmem>>, vector<16xi32>,
    %add3A_38 = arith.constant 64 : i32
    %add3A_39 = vector.broadcast %add3A_38 : i32 to vector<16xi32>
    %add3A_40 = arith.addi %mul3A_7, %add3A_39 : vector<16xi32>
    %gather3A_41 = tpu.vector_load_idx %arg6[%add3A_40] : memref<128xi32, #tpu.memory_space<vmem>>[vector<16xi32>], vector<16xi32>,
    %add3A_42 = arith.constant 32 : i32
    %add3A_43 = arith.addi %mul3A_0, %add3A_42 : i32
    %add3A_44 = vector.broadcast %add3A_43 : i32 to vector<16xi32>
    %add3A_45 = arith.addi %add3A_44, %iota3A : vector<16xi32>
    %mul3A_46 = arith.constant 512 : i32
    %mul3A_47 = vector.broadcast %mul3A_46 : i32 to vector<16xi32>
    %mul3A_48 = arith.muli %add3A_45, %mul3A_47 : vector<16xi32>
    %add3A_49 = arith.addi %mul3A_48, %gather3A_41 : vector<16xi32>
    %sub3A_50 = arith.constant 1 : i32
    %sub3A_51 = vector.broadcast %sub3A_50 : i32 to vector<16xi32>
    %sub3A_52 = arith.subi %add3A_49, %sub3A_51 : vector<16xi32>
    %swap3A_53 = arith.constant 32 : index
    %swap3A_54 = tpu.vector_load %arg7[%swap3A_53] {strides = array<i32>} : memref<64xi32, #tpu.memory_space<vmem>>, vector<16xi32>,
    tpu.vector_store %arg7[%swap3A_53], %sub3A_52 {strides = array<i32>} : memref<64xi32, #tpu.memory_space<vmem>>, vector<16xi32>,
    %add3A_55 = arith.constant 96 : i32
    %add3A_56 = vector.broadcast %add3A_55 : i32 to vector<16xi32>
    %add3A_57 = arith.addi %mul3A_7, %add3A_56 : vector<16xi32>
    %gather3A_58 = tpu.vector_load_idx %arg6[%add3A_57] : memref<128xi32, #tpu.memory_space<vmem>>[vector<16xi32>], vector<16xi32>,
    %add3A_59 = arith.constant 48 : i32
    %add3A_60 = arith.addi %mul3A_0, %add3A_59 : i32
    %add3A_61 = vector.broadcast %add3A_60 : i32 to vector<16xi32>
    %add3A_62 = arith.addi %add3A_61, %iota3A : vector<16xi32>
    %mul3A_63 = arith.constant 512 : i32
    %mul3A_64 = vector.broadcast %mul3A_63 : i32 to vector<16xi32>
    %mul3A_65 = arith.muli %add3A_62, %mul3A_64 : vector<16xi32>
    %add3A_66 = arith.addi %mul3A_65, %gather3A_58 : vector<16xi32>
    %sub3A_67 = arith.constant 1 : i32
    %sub3A_68 = vector.broadcast %sub3A_67 : i32 to vector<16xi32>
    %sub3A_69 = arith.subi %add3A_66, %sub3A_68 : vector<16xi32>
    %swap3A_70 = arith.constant 48 : index
    %swap3A_71 = tpu.vector_load %arg7[%swap3A_70] {strides = array<i32>} : memref<64xi32, #tpu.memory_space<vmem>>, vector<16xi32>,
    tpu.vector_store %arg7[%swap3A_70], %sub3A_69 {strides = array<i32>} : memref<64xi32, #tpu.memory_space<vmem>>, vector<16xi32>,
    %dma_start3A_72 = arith.constant 0 : i32
    %dma_start3A_73 = tpu.memref_slice %arg2[%dma_start3A_72] : memref<524288xi32, #tpu.memory_space<hbm>> -> memref<524288xi32, #tpu.memory_space<hbm>>
    tpu.enqueue_indirect_dma source(%dma_start3A_73 : memref<524288xi32, #tpu.memory_space<hbm>>) target(%arg8 : memref<64xi32, #tpu.memory_space<vmem>>) offsets(%arg7 : memref<64xi32, #tpu.memory_space<vmem>>) semaphore(%arg13 : memref<!tpu.dma_semaphore, #tpu.memory_space<semaphore_mem>>)
    tpu.wait_dma2 semaphore(%arg12 : memref<!tpu.dma_semaphore, #tpu.memory_space<semaphore_mem>>) src(%arg4 : memref<7344xf32, #tpu.memory_space<hbm>>) dst(%arg9 : memref<7344xf32, #tpu.memory_space<vmem>>)
    %get3A = arith.constant 7328 : index
    %get3A_74 = tpu.vector_load %arg9[%get3A] {strides = array<i32>} : memref<7344xf32, #tpu.memory_space<vmem>>, vector<16xf32>,
    %broadcast_in_dim3A = arith.constant 0.000000e+00 : f32
    %broadcast_in_dim3A_75 = vector.broadcast %broadcast_in_dim3A : f32 to vector<16xf32>
    %broadcast_in_dim3A_76 = arith.constant 0 : i32
    %broadcast_in_dim3A_77 = vector.broadcast %broadcast_in_dim3A_76 : i32 to vector<16xi32>
    %add3A_78 = arith.constant 1 : i32
    %add3A_79 = vector.broadcast %add3A_78 : i32 to vector<16xi32>
    %add3A_80 = arith.addi %mul3A_7, %add3A_79 : vector<16xi32>
    %gather3A_81 = tpu.vector_load_idx %arg6[%add3A_80] : memref<128xi32, #tpu.memory_space<vmem>>[vector<16xi32>], vector<16xi32>,
    %mul3A_82 = arith.constant 32 : i32
    %mul3A_83 = vector.broadcast %mul3A_82 : i32 to vector<16xi32>
    %mul3A_84 = arith.muli %gather3A_81, %mul3A_83 : vector<16xi32>
    %add3A_85 = arith.constant 6240 : i32
    %add3A_86 = vector.broadcast %add3A_85 : i32 to vector<16xi32>
    %add3A_87 = arith.addi %mul3A_84, %add3A_86 : vector<16xi32>
    %add3A_88 = arith.constant 33 : i32
    %add3A_89 = vector.broadcast %add3A_88 : i32 to vector<16xi32>
    %add3A_90 = arith.addi %mul3A_7, %add3A_89 : vector<16xi32>
    %gather3A_91 = tpu.vector_load_idx %arg6[%add3A_90] : memref<128xi32, #tpu.memory_space<vmem>>[vector<16xi32>], vector<16xi32>,
    %mul3A_92 = arith.constant 32 : i32
    %mul3A_93 = vector.broadcast %mul3A_92 : i32 to vector<16xi32>
    %mul3A_94 = arith.muli %gather3A_91, %mul3A_93 : vector<16xi32>
    %add3A_95 = arith.constant 6240 : i32
    %add3A_96 = vector.broadcast %add3A_95 : i32 to vector<16xi32>
    %add3A_97 = arith.addi %mul3A_94, %add3A_96 : vector<16xi32>
    %add3A_98 = arith.constant 65 : i32
    %add3A_99 = vector.broadcast %add3A_98 : i32 to vector<16xi32>
    %add3A_100 = arith.addi %mul3A_7, %add3A_99 : vector<16xi32>
    %gather3A_101 = tpu.vector_load_idx %arg6[%add3A_100] : memref<128xi32, #tpu.memory_space<vmem>>[vector<16xi32>], vector<16xi32>,
    %mul3A_102 = arith.constant 32 : i32
    %mul3A_103 = vector.broadcast %mul3A_102 : i32 to vector<16xi32>
    %mul3A_104 = arith.muli %gather3A_101, %mul3A_103 : vector<16xi32>
    %add3A_105 = arith.constant 6240 : i32
    %add3A_106 = vector.broadcast %add3A_105 : i32 to vector<16xi32>
    %add3A_107 = arith.addi %mul3A_104, %add3A_106 : vector<16xi32>
    %add3A_108 = arith.constant 97 : i32
    %add3A_109 = vector.broadcast %add3A_108 : i32 to vector<16xi32>
    %add3A_110 = arith.addi %mul3A_7, %add3A_109 : vector<16xi32>
    %gather3A_111 = tpu.vector_load_idx %arg6[%add3A_110] : memref<128xi32, #tpu.memory_space<vmem>>[vector<16xi32>], vector<16xi32>,
    %mul3A_112 = arith.constant 32 : i32
    %mul3A_113 = vector.broadcast %mul3A_112 : i32 to vector<16xi32>
    %mul3A_114 = arith.muli %gather3A_111, %mul3A_113 : vector<16xi32>
    %add3A_115 = arith.constant 6240 : i32
    %add3A_116 = vector.broadcast %add3A_115 : i32 to vector<16xi32>
    %add3A_117 = arith.addi %mul3A_114, %add3A_116 : vector<16xi32>
    %scan3A = arith.constant 0 : i32
    %scan3A_118 = arith.constant 4 : i32
    %scan3A_119 = arith.addi %scan3A, %scan3A_118 : i32
    %scan3A_120 = arith.constant 1 : i32
    %scan3A_121:8 = scf.for %scan3A_575 = %scan3A to %scan3A_119 step %scan3A_120 iter_args(%scan3A_576 = %broadcast_in_dim3A_75, %scan3A_577 = %broadcast_in_dim3A_75, %scan3A_578 = %broadcast_in_dim3A_75, %scan3A_579 = %broadcast_in_dim3A_75, %scan3A_580 = %broadcast_in_dim3A_75, %scan3A_581 = %broadcast_in_dim3A_75, %scan3A_582 = %broadcast_in_dim3A_75, %scan3A_583 = %broadcast_in_dim3A_75) -> (vector<16xf32>, vector<16xf32>, vector<16xf32>, vector<16xf32>, vector<16xf32>, vector<16xf32>, vector<16xf32>, vector<16xf32>)  : i32 {
      %mul3A_584 = arith.constant 8 : i32
      %mul3A_585 = arith.muli %scan3A_575, %mul3A_584 : i32
      %add3A_586 = arith.constant 7296 : i32
      %add3A_587 = arith.addi %add3A_586, %mul3A_585 : i32
      %add3A_588 = arith.constant 0 : i32
      %add3A_589 = arith.addi %add3A_587, %add3A_588 : i32
      %add3A_590 = vector.broadcast %add3A_589 : i32 to vector<16xi32>
      %add3A_591 = arith.addi %broadcast_in_dim3A_77, %add3A_590 : vector<16xi32>
      %gather3A_592 = tpu.vector_load_idx %arg9[%add3A_591] : memref<7344xf32, #tpu.memory_space<vmem>>[vector<16xi32>], vector<16xf32>,
      %add3A_593 = arith.constant 7296 : i32
      %add3A_594 = arith.addi %add3A_593, %mul3A_585 : i32
      %add3A_595 = arith.constant 1 : i32
      %add3A_596 = arith.addi %add3A_594, %add3A_595 : i32
      %add3A_597 = vector.broadcast %add3A_596 : i32 to vector<16xi32>
      %add3A_598 = arith.addi %broadcast_in_dim3A_77, %add3A_597 : vector<16xi32>
      %gather3A_599 = tpu.vector_load_idx %arg9[%add3A_598] : memref<7344xf32, #tpu.memory_space<vmem>>[vector<16xi32>], vector<16xf32>,
      %add3A_600 = arith.constant 7296 : i32
      %add3A_601 = arith.addi %add3A_600, %mul3A_585 : i32
      %add3A_602 = arith.constant 2 : i32
      %add3A_603 = arith.addi %add3A_601, %add3A_602 : i32
      %add3A_604 = vector.broadcast %add3A_603 : i32 to vector<16xi32>
      %add3A_605 = arith.addi %broadcast_in_dim3A_77, %add3A_604 : vector<16xi32>
      %gather3A_606 = tpu.vector_load_idx %arg9[%add3A_605] : memref<7344xf32, #tpu.memory_space<vmem>>[vector<16xi32>], vector<16xf32>,
      %add3A_607 = arith.constant 7296 : i32
      %add3A_608 = arith.addi %add3A_607, %mul3A_585 : i32
      %add3A_609 = arith.constant 3 : i32
      %add3A_610 = arith.addi %add3A_608, %add3A_609 : i32
      %add3A_611 = vector.broadcast %add3A_610 : i32 to vector<16xi32>
      %add3A_612 = arith.addi %broadcast_in_dim3A_77, %add3A_611 : vector<16xi32>
      %gather3A_613 = tpu.vector_load_idx %arg9[%add3A_612] : memref<7344xf32, #tpu.memory_space<vmem>>[vector<16xi32>], vector<16xf32>,
      %add3A_614 = arith.constant 7296 : i32
      %add3A_615 = arith.addi %add3A_614, %mul3A_585 : i32
      %add3A_616 = arith.constant 4 : i32
      %add3A_617 = arith.addi %add3A_615, %add3A_616 : i32
      %add3A_618 = vector.broadcast %add3A_617 : i32 to vector<16xi32>
      %add3A_619 = arith.addi %broadcast_in_dim3A_77, %add3A_618 : vector<16xi32>
      %gather3A_620 = tpu.vector_load_idx %arg9[%add3A_619] : memref<7344xf32, #tpu.memory_space<vmem>>[vector<16xi32>], vector<16xf32>,
      %add3A_621 = arith.constant 7296 : i32
      %add3A_622 = arith.addi %add3A_621, %mul3A_585 : i32
      %add3A_623 = arith.constant 5 : i32
      %add3A_624 = arith.addi %add3A_622, %add3A_623 : i32
      %add3A_625 = vector.broadcast %add3A_624 : i32 to vector<16xi32>
      %add3A_626 = arith.addi %broadcast_in_dim3A_77, %add3A_625 : vector<16xi32>
      %gather3A_627 = tpu.vector_load_idx %arg9[%add3A_626] : memref<7344xf32, #tpu.memory_space<vmem>>[vector<16xi32>], vector<16xf32>,
      %add3A_628 = arith.constant 7296 : i32
      %add3A_629 = arith.addi %add3A_628, %mul3A_585 : i32
      %add3A_630 = arith.constant 6 : i32
      %add3A_631 = arith.addi %add3A_629, %add3A_630 : i32
      %add3A_632 = vector.broadcast %add3A_631 : i32 to vector<16xi32>
      %add3A_633 = arith.addi %broadcast_in_dim3A_77, %add3A_632 : vector<16xi32>
      %gather3A_634 = tpu.vector_load_idx %arg9[%add3A_633] : memref<7344xf32, #tpu.memory_space<vmem>>[vector<16xi32>], vector<16xf32>,
      %add3A_635 = arith.constant 7296 : i32
      %add3A_636 = arith.addi %add3A_635, %mul3A_585 : i32
      %add3A_637 = arith.constant 7 : i32
      %add3A_638 = arith.addi %add3A_636, %add3A_637 : i32
      %add3A_639 = vector.broadcast %add3A_638 : i32 to vector<16xi32>
      %add3A_640 = arith.addi %broadcast_in_dim3A_77, %add3A_639 : vector<16xi32>
      %gather3A_641 = tpu.vector_load_idx %arg9[%add3A_640] : memref<7344xf32, #tpu.memory_space<vmem>>[vector<16xi32>], vector<16xf32>,
      %add3A_642 = arith.constant 0 : i32
      %add3A_643 = arith.addi %mul3A_585, %add3A_642 : i32
      %add3A_644 = vector.broadcast %add3A_643 : i32 to vector<16xi32>
      %add3A_645 = arith.addi %add3A_87, %add3A_644 : vector<16xi32>
      %gather3A_646 = tpu.vector_load_idx %arg9[%add3A_645] : memref<7344xf32, #tpu.memory_space<vmem>>[vector<16xi32>], vector<16xf32>,
      %add3A_647 = arith.constant 1 : i32
      %add3A_648 = arith.addi %mul3A_585, %add3A_647 : i32
      %add3A_649 = vector.broadcast %add3A_648 : i32 to vector<16xi32>
      %add3A_650 = arith.addi %add3A_87, %add3A_649 : vector<16xi32>
      %gather3A_651 = tpu.vector_load_idx %arg9[%add3A_650] : memref<7344xf32, #tpu.memory_space<vmem>>[vector<16xi32>], vector<16xf32>,
      %add3A_652 = arith.constant 2 : i32
      %add3A_653 = arith.addi %mul3A_585, %add3A_652 : i32
      %add3A_654 = vector.broadcast %add3A_653 : i32 to vector<16xi32>
      %add3A_655 = arith.addi %add3A_87, %add3A_654 : vector<16xi32>
      %gather3A_656 = tpu.vector_load_idx %arg9[%add3A_655] : memref<7344xf32, #tpu.memory_space<vmem>>[vector<16xi32>], vector<16xf32>,
      %add3A_657 = arith.constant 3 : i32
      %add3A_658 = arith.addi %mul3A_585, %add3A_657 : i32
      %add3A_659 = vector.broadcast %add3A_658 : i32 to vector<16xi32>
      %add3A_660 = arith.addi %add3A_87, %add3A_659 : vector<16xi32>
      %gather3A_661 = tpu.vector_load_idx %arg9[%add3A_660] : memref<7344xf32, #tpu.memory_space<vmem>>[vector<16xi32>], vector<16xf32>,
      %add3A_662 = arith.constant 4 : i32
      %add3A_663 = arith.addi %mul3A_585, %add3A_662 : i32
      %add3A_664 = vector.broadcast %add3A_663 : i32 to vector<16xi32>
      %add3A_665 = arith.addi %add3A_87, %add3A_664 : vector<16xi32>
      %gather3A_666 = tpu.vector_load_idx %arg9[%add3A_665] : memref<7344xf32, #tpu.memory_space<vmem>>[vector<16xi32>], vector<16xf32>,
      %add3A_667 = arith.constant 5 : i32
      %add3A_668 = arith.addi %mul3A_585, %add3A_667 : i32
      %add3A_669 = vector.broadcast %add3A_668 : i32 to vector<16xi32>
      %add3A_670 = arith.addi %add3A_87, %add3A_669 : vector<16xi32>
      %gather3A_671 = tpu.vector_load_idx %arg9[%add3A_670] : memref<7344xf32, #tpu.memory_space<vmem>>[vector<16xi32>], vector<16xf32>,
      %add3A_672 = arith.constant 6 : i32
      %add3A_673 = arith.addi %mul3A_585, %add3A_672 : i32
      %add3A_674 = vector.broadcast %add3A_673 : i32 to vector<16xi32>
      %add3A_675 = arith.addi %add3A_87, %add3A_674 : vector<16xi32>
      %gather3A_676 = tpu.vector_load_idx %arg9[%add3A_675] : memref<7344xf32, #tpu.memory_space<vmem>>[vector<16xi32>], vector<16xf32>,
      %add3A_677 = arith.constant 7 : i32
      %add3A_678 = arith.addi %mul3A_585, %add3A_677 : i32
      %add3A_679 = vector.broadcast %add3A_678 : i32 to vector<16xi32>
      %add3A_680 = arith.addi %add3A_87, %add3A_679 : vector<16xi32>
      %gather3A_681 = tpu.vector_load_idx %arg9[%add3A_680] : memref<7344xf32, #tpu.memory_space<vmem>>[vector<16xi32>], vector<16xf32>,
      %mul3A_682 = arith.mulf %gather3A_646, %gather3A_592 : vector<16xf32>
      %mul3A_683 = arith.mulf %gather3A_651, %gather3A_599 : vector<16xf32>
      %mul3A_684 = arith.mulf %gather3A_656, %gather3A_606 : vector<16xf32>
      %mul3A_685 = arith.mulf %gather3A_661, %gather3A_613 : vector<16xf32>
      %mul3A_686 = arith.mulf %gather3A_666, %gather3A_620 : vector<16xf32>
      %mul3A_687 = arith.mulf %gather3A_671, %gather3A_627 : vector<16xf32>
      %mul3A_688 = arith.mulf %gather3A_676, %gather3A_634 : vector<16xf32>
      %mul3A_689 = arith.mulf %gather3A_681, %gather3A_641 : vector<16xf32>
      %add3A_690 = arith.addf %mul3A_682, %mul3A_683 : vector<16xf32>
      %add3A_691 = arith.addf %mul3A_684, %mul3A_685 : vector<16xf32>
      %add3A_692 = arith.addf %mul3A_686, %mul3A_687 : vector<16xf32>
      %add3A_693 = arith.addf %mul3A_688, %mul3A_689 : vector<16xf32>
      %add3A_694 = arith.addf %add3A_690, %add3A_691 : vector<16xf32>
      %add3A_695 = arith.addf %add3A_692, %add3A_693 : vector<16xf32>
      %add3A_696 = arith.addf %add3A_694, %add3A_695 : vector<16xf32>
      %add3A_697 = arith.addf %scan3A_576, %add3A_696 : vector<16xf32>
      %mul3A_698 = arith.mulf %gather3A_646, %gather3A_646 : vector<16xf32>
      %mul3A_699 = arith.mulf %gather3A_651, %gather3A_651 : vector<16xf32>
      %mul3A_700 = arith.mulf %gather3A_656, %gather3A_656 : vector<16xf32>
      %mul3A_701 = arith.mulf %gather3A_661, %gather3A_661 : vector<16xf32>
      %mul3A_702 = arith.mulf %gather3A_666, %gather3A_666 : vector<16xf32>
      %mul3A_703 = arith.mulf %gather3A_671, %gather3A_671 : vector<16xf32>
      %mul3A_704 = arith.mulf %gather3A_676, %gather3A_676 : vector<16xf32>
      %mul3A_705 = arith.mulf %gather3A_681, %gather3A_681 : vector<16xf32>
      %add3A_706 = arith.addf %mul3A_698, %mul3A_699 : vector<16xf32>
      %add3A_707 = arith.addf %mul3A_700, %mul3A_701 : vector<16xf32>
      %add3A_708 = arith.addf %mul3A_702, %mul3A_703 : vector<16xf32>
      %add3A_709 = arith.addf %mul3A_704, %mul3A_705 : vector<16xf32>
      %add3A_710 = arith.addf %add3A_706, %add3A_707 : vector<16xf32>
      %add3A_711 = arith.addf %add3A_708, %add3A_709 : vector<16xf32>
      %add3A_712 = arith.addf %add3A_710, %add3A_711 : vector<16xf32>
      %add3A_713 = arith.addf %scan3A_577, %add3A_712 : vector<16xf32>
      %add3A_714 = arith.constant 0 : i32
      %add3A_715 = arith.addi %mul3A_585, %add3A_714 : i32
      %add3A_716 = vector.broadcast %add3A_715 : i32 to vector<16xi32>
      %add3A_717 = arith.addi %add3A_97, %add3A_716 : vector<16xi32>
      %gather3A_718 = tpu.vector_load_idx %arg9[%add3A_717] : memref<7344xf32, #tpu.memory_space<vmem>>[vector<16xi32>], vector<16xf32>,
      %add3A_719 = arith.constant 1 : i32
      %add3A_720 = arith.addi %mul3A_585, %add3A_719 : i32
      %add3A_721 = vector.broadcast %add3A_720 : i32 to vector<16xi32>
      %add3A_722 = arith.addi %add3A_97, %add3A_721 : vector<16xi32>
      %gather3A_723 = tpu.vector_load_idx %arg9[%add3A_722] : memref<7344xf32, #tpu.memory_space<vmem>>[vector<16xi32>], vector<16xf32>,
      %add3A_724 = arith.constant 2 : i32
      %add3A_725 = arith.addi %mul3A_585, %add3A_724 : i32
      %add3A_726 = vector.broadcast %add3A_725 : i32 to vector<16xi32>
      %add3A_727 = arith.addi %add3A_97, %add3A_726 : vector<16xi32>
      %gather3A_728 = tpu.vector_load_idx %arg9[%add3A_727] : memref<7344xf32, #tpu.memory_space<vmem>>[vector<16xi32>], vector<16xf32>,
      %add3A_729 = arith.constant 3 : i32
      %add3A_730 = arith.addi %mul3A_585, %add3A_729 : i32
      %add3A_731 = vector.broadcast %add3A_730 : i32 to vector<16xi32>
      %add3A_732 = arith.addi %add3A_97, %add3A_731 : vector<16xi32>
      %gather3A_733 = tpu.vector_load_idx %arg9[%add3A_732] : memref<7344xf32, #tpu.memory_space<vmem>>[vector<16xi32>], vector<16xf32>,
      %add3A_734 = arith.constant 4 : i32
      %add3A_735 = arith.addi %mul3A_585, %add3A_734 : i32
      %add3A_736 = vector.broadcast %add3A_735 : i32 to vector<16xi32>
      %add3A_737 = arith.addi %add3A_97, %add3A_736 : vector<16xi32>
      %gather3A_738 = tpu.vector_load_idx %arg9[%add3A_737] : memref<7344xf32, #tpu.memory_space<vmem>>[vector<16xi32>], vector<16xf32>,
      %add3A_739 = arith.constant 5 : i32
      %add3A_740 = arith.addi %mul3A_585, %add3A_739 : i32
      %add3A_741 = vector.broadcast %add3A_740 : i32 to vector<16xi32>
      %add3A_742 = arith.addi %add3A_97, %add3A_741 : vector<16xi32>
      %gather3A_743 = tpu.vector_load_idx %arg9[%add3A_742] : memref<7344xf32, #tpu.memory_space<vmem>>[vector<16xi32>], vector<16xf32>,
      %add3A_744 = arith.constant 6 : i32
      %add3A_745 = arith.addi %mul3A_585, %add3A_744 : i32
      %add3A_746 = vector.broadcast %add3A_745 : i32 to vector<16xi32>
      %add3A_747 = arith.addi %add3A_97, %add3A_746 : vector<16xi32>
      %gather3A_748 = tpu.vector_load_idx %arg9[%add3A_747] : memref<7344xf32, #tpu.memory_space<vmem>>[vector<16xi32>], vector<16xf32>,
      %add3A_749 = arith.constant 7 : i32
      %add3A_750 = arith.addi %mul3A_585, %add3A_749 : i32
      %add3A_751 = vector.broadcast %add3A_750 : i32 to vector<16xi32>
      %add3A_752 = arith.addi %add3A_97, %add3A_751 : vector<16xi32>
      %gather3A_753 = tpu.vector_load_idx %arg9[%add3A_752] : memref<7344xf32, #tpu.memory_space<vmem>>[vector<16xi32>], vector<16xf32>,
      %mul3A_754 = arith.mulf %gather3A_718, %gather3A_592 : vector<16xf32>
      %mul3A_755 = arith.mulf %gather3A_723, %gather3A_599 : vector<16xf32>
      %mul3A_756 = arith.mulf %gather3A_728, %gather3A_606 : vector<16xf32>
      %mul3A_757 = arith.mulf %gather3A_733, %gather3A_613 : vector<16xf32>
      %mul3A_758 = arith.mulf %gather3A_738, %gather3A_620 : vector<16xf32>
      %mul3A_759 = arith.mulf %gather3A_743, %gather3A_627 : vector<16xf32>
      %mul3A_760 = arith.mulf %gather3A_748, %gather3A_634 : vector<16xf32>
      %mul3A_761 = arith.mulf %gather3A_753, %gather3A_641 : vector<16xf32>
      %add3A_762 = arith.addf %mul3A_754, %mul3A_755 : vector<16xf32>
      %add3A_763 = arith.addf %mul3A_756, %mul3A_757 : vector<16xf32>
      %add3A_764 = arith.addf %mul3A_758, %mul3A_759 : vector<16xf32>
      %add3A_765 = arith.addf %mul3A_760, %mul3A_761 : vector<16xf32>
      %add3A_766 = arith.addf %add3A_762, %add3A_763 : vector<16xf32>
      %add3A_767 = arith.addf %add3A_764, %add3A_765 : vector<16xf32>
      %add3A_768 = arith.addf %add3A_766, %add3A_767 : vector<16xf32>
      %add3A_769 = arith.addf %scan3A_578, %add3A_768 : vector<16xf32>
      %mul3A_770 = arith.mulf %gather3A_718, %gather3A_718 : vector<16xf32>
      %mul3A_771 = arith.mulf %gather3A_723, %gather3A_723 : vector<16xf32>
      %mul3A_772 = arith.mulf %gather3A_728, %gather3A_728 : vector<16xf32>
      %mul3A_773 = arith.mulf %gather3A_733, %gather3A_733 : vector<16xf32>
      %mul3A_774 = arith.mulf %gather3A_738, %gather3A_738 : vector<16xf32>
      %mul3A_775 = arith.mulf %gather3A_743, %gather3A_743 : vector<16xf32>
      %mul3A_776 = arith.mulf %gather3A_748, %gather3A_748 : vector<16xf32>
      %mul3A_777 = arith.mulf %gather3A_753, %gather3A_753 : vector<16xf32>
      %add3A_778 = arith.addf %mul3A_770, %mul3A_771 : vector<16xf32>
      %add3A_779 = arith.addf %mul3A_772, %mul3A_773 : vector<16xf32>
      %add3A_780 = arith.addf %mul3A_774, %mul3A_775 : vector<16xf32>
      %add3A_781 = arith.addf %mul3A_776, %mul3A_777 : vector<16xf32>
      %add3A_782 = arith.addf %add3A_778, %add3A_779 : vector<16xf32>
      %add3A_783 = arith.addf %add3A_780, %add3A_781 : vector<16xf32>
      %add3A_784 = arith.addf %add3A_782, %add3A_783 : vector<16xf32>
      %add3A_785 = arith.addf %scan3A_579, %add3A_784 : vector<16xf32>
      %add3A_786 = arith.constant 0 : i32
      %add3A_787 = arith.addi %mul3A_585, %add3A_786 : i32
      %add3A_788 = vector.broadcast %add3A_787 : i32 to vector<16xi32>
      %add3A_789 = arith.addi %add3A_107, %add3A_788 : vector<16xi32>
      %gather3A_790 = tpu.vector_load_idx %arg9[%add3A_789] : memref<7344xf32, #tpu.memory_space<vmem>>[vector<16xi32>], vector<16xf32>,
      %add3A_791 = arith.constant 1 : i32
      %add3A_792 = arith.addi %mul3A_585, %add3A_791 : i32
      %add3A_793 = vector.broadcast %add3A_792 : i32 to vector<16xi32>
      %add3A_794 = arith.addi %add3A_107, %add3A_793 : vector<16xi32>
      %gather3A_795 = tpu.vector_load_idx %arg9[%add3A_794] : memref<7344xf32, #tpu.memory_space<vmem>>[vector<16xi32>], vector<16xf32>,
      %add3A_796 = arith.constant 2 : i32
      %add3A_797 = arith.addi %mul3A_585, %add3A_796 : i32
      %add3A_798 = vector.broadcast %add3A_797 : i32 to vector<16xi32>
      %add3A_799 = arith.addi %add3A_107, %add3A_798 : vector<16xi32>
      %gather3A_800 = tpu.vector_load_idx %arg9[%add3A_799] : memref<7344xf32, #tpu.memory_space<vmem>>[vector<16xi32>], vector<16xf32>,
      %add3A_801 = arith.constant 3 : i32
      %add3A_802 = arith.addi %mul3A_585, %add3A_801 : i32
      %add3A_803 = vector.broadcast %add3A_802 : i32 to vector<16xi32>
      %add3A_804 = arith.addi %add3A_107, %add3A_803 : vector<16xi32>
      %gather3A_805 = tpu.vector_load_idx %arg9[%add3A_804] : memref<7344xf32, #tpu.memory_space<vmem>>[vector<16xi32>], vector<16xf32>,
      %add3A_806 = arith.constant 4 : i32
      %add3A_807 = arith.addi %mul3A_585, %add3A_806 : i32
      %add3A_808 = vector.broadcast %add3A_807 : i32 to vector<16xi32>
      %add3A_809 = arith.addi %add3A_107, %add3A_808 : vector<16xi32>
      %gather3A_810 = tpu.vector_load_idx %arg9[%add3A_809] : memref<7344xf32, #tpu.memory_space<vmem>>[vector<16xi32>], vector<16xf32>,
      %add3A_811 = arith.constant 5 : i32
      %add3A_812 = arith.addi %mul3A_585, %add3A_811 : i32
      %add3A_813 = vector.broadcast %add3A_812 : i32 to vector<16xi32>
      %add3A_814 = arith.addi %add3A_107, %add3A_813 : vector<16xi32>
      %gather3A_815 = tpu.vector_load_idx %arg9[%add3A_814] : memref<7344xf32, #tpu.memory_space<vmem>>[vector<16xi32>], vector<16xf32>,
      %add3A_816 = arith.constant 6 : i32
      %add3A_817 = arith.addi %mul3A_585, %add3A_816 : i32
      %add3A_818 = vector.broadcast %add3A_817 : i32 to vector<16xi32>
      %add3A_819 = arith.addi %add3A_107, %add3A_818 : vector<16xi32>
      %gather3A_820 = tpu.vector_load_idx %arg9[%add3A_819] : memref<7344xf32, #tpu.memory_space<vmem>>[vector<16xi32>], vector<16xf32>,
      %add3A_821 = arith.constant 7 : i32
      %add3A_822 = arith.addi %mul3A_585, %add3A_821 : i32
      %add3A_823 = vector.broadcast %add3A_822 : i32 to vector<16xi32>
      %add3A_824 = arith.addi %add3A_107, %add3A_823 : vector<16xi32>
      %gather3A_825 = tpu.vector_load_idx %arg9[%add3A_824] : memref<7344xf32, #tpu.memory_space<vmem>>[vector<16xi32>], vector<16xf32>,
      %mul3A_826 = arith.mulf %gather3A_790, %gather3A_592 : vector<16xf32>
      %mul3A_827 = arith.mulf %gather3A_795, %gather3A_599 : vector<16xf32>
      %mul3A_828 = arith.mulf %gather3A_800, %gather3A_606 : vector<16xf32>
      %mul3A_829 = arith.mulf %gather3A_805, %gather3A_613 : vector<16xf32>
      %mul3A_830 = arith.mulf %gather3A_810, %gather3A_620 : vector<16xf32>
      %mul3A_831 = arith.mulf %gather3A_815, %gather3A_627 : vector<16xf32>
      %mul3A_832 = arith.mulf %gather3A_820, %gather3A_634 : vector<16xf32>
      %mul3A_833 = arith.mulf %gather3A_825, %gather3A_641 : vector<16xf32>
      %add3A_834 = arith.addf %mul3A_826, %mul3A_827 : vector<16xf32>
      %add3A_835 = arith.addf %mul3A_828, %mul3A_829 : vector<16xf32>
      %add3A_836 = arith.addf %mul3A_830, %mul3A_831 : vector<16xf32>
      %add3A_837 = arith.addf %mul3A_832, %mul3A_833 : vector<16xf32>
      %add3A_838 = arith.addf %add3A_834, %add3A_835 : vector<16xf32>
      %add3A_839 = arith.addf %add3A_836, %add3A_837 : vector<16xf32>
      %add3A_840 = arith.addf %add3A_838, %add3A_839 : vector<16xf32>
      %add3A_841 = arith.addf %scan3A_580, %add3A_840 : vector<16xf32>
      %mul3A_842 = arith.mulf %gather3A_790, %gather3A_790 : vector<16xf32>
      %mul3A_843 = arith.mulf %gather3A_795, %gather3A_795 : vector<16xf32>
      %mul3A_844 = arith.mulf %gather3A_800, %gather3A_800 : vector<16xf32>
      %mul3A_845 = arith.mulf %gather3A_805, %gather3A_805 : vector<16xf32>
      %mul3A_846 = arith.mulf %gather3A_810, %gather3A_810 : vector<16xf32>
      %mul3A_847 = arith.mulf %gather3A_815, %gather3A_815 : vector<16xf32>
      %mul3A_848 = arith.mulf %gather3A_820, %gather3A_820 : vector<16xf32>
      %mul3A_849 = arith.mulf %gather3A_825, %gather3A_825 : vector<16xf32>
      %add3A_850 = arith.addf %mul3A_842, %mul3A_843 : vector<16xf32>
      %add3A_851 = arith.addf %mul3A_844, %mul3A_845 : vector<16xf32>
      %add3A_852 = arith.addf %mul3A_846, %mul3A_847 : vector<16xf32>
      %add3A_853 = arith.addf %mul3A_848, %mul3A_849 : vector<16xf32>
      %add3A_854 = arith.addf %add3A_850, %add3A_851 : vector<16xf32>
      %add3A_855 = arith.addf %add3A_852, %add3A_853 : vector<16xf32>
      %add3A_856 = arith.addf %add3A_854, %add3A_855 : vector<16xf32>
      %add3A_857 = arith.addf %scan3A_581, %add3A_856 : vector<16xf32>
      %add3A_858 = arith.constant 0 : i32
      %add3A_859 = arith.addi %mul3A_585, %add3A_858 : i32
      %add3A_860 = vector.broadcast %add3A_859 : i32 to vector<16xi32>
      %add3A_861 = arith.addi %add3A_117, %add3A_860 : vector<16xi32>
      %gather3A_862 = tpu.vector_load_idx %arg9[%add3A_861] : memref<7344xf32, #tpu.memory_space<vmem>>[vector<16xi32>], vector<16xf32>,
      %add3A_863 = arith.constant 1 : i32
      %add3A_864 = arith.addi %mul3A_585, %add3A_863 : i32
      %add3A_865 = vector.broadcast %add3A_864 : i32 to vector<16xi32>
      %add3A_866 = arith.addi %add3A_117, %add3A_865 : vector<16xi32>
      %gather3A_867 = tpu.vector_load_idx %arg9[%add3A_866] : memref<7344xf32, #tpu.memory_space<vmem>>[vector<16xi32>], vector<16xf32>,
      %add3A_868 = arith.constant 2 : i32
      %add3A_869 = arith.addi %mul3A_585, %add3A_868 : i32
      %add3A_870 = vector.broadcast %add3A_869 : i32 to vector<16xi32>
      %add3A_871 = arith.addi %add3A_117, %add3A_870 : vector<16xi32>
      %gather3A_872 = tpu.vector_load_idx %arg9[%add3A_871] : memref<7344xf32, #tpu.memory_space<vmem>>[vector<16xi32>], vector<16xf32>,
      %add3A_873 = arith.constant 3 : i32
      %add3A_874 = arith.addi %mul3A_585, %add3A_873 : i32
      %add3A_875 = vector.broadcast %add3A_874 : i32 to vector<16xi32>
      %add3A_876 = arith.addi %add3A_117, %add3A_875 : vector<16xi32>
      %gather3A_877 = tpu.vector_load_idx %arg9[%add3A_876] : memref<7344xf32, #tpu.memory_space<vmem>>[vector<16xi32>], vector<16xf32>,
      %add3A_878 = arith.constant 4 : i32
      %add3A_879 = arith.addi %mul3A_585, %add3A_878 : i32
      %add3A_880 = vector.broadcast %add3A_879 : i32 to vector<16xi32>
      %add3A_881 = arith.addi %add3A_117, %add3A_880 : vector<16xi32>
      %gather3A_882 = tpu.vector_load_idx %arg9[%add3A_881] : memref<7344xf32, #tpu.memory_space<vmem>>[vector<16xi32>], vector<16xf32>,
      %add3A_883 = arith.constant 5 : i32
      %add3A_884 = arith.addi %mul3A_585, %add3A_883 : i32
      %add3A_885 = vector.broadcast %add3A_884 : i32 to vector<16xi32>
      %add3A_886 = arith.addi %add3A_117, %add3A_885 : vector<16xi32>
      %gather3A_887 = tpu.vector_load_idx %arg9[%add3A_886] : memref<7344xf32, #tpu.memory_space<vmem>>[vector<16xi32>], vector<16xf32>,
      %add3A_888 = arith.constant 6 : i32
      %add3A_889 = arith.addi %mul3A_585, %add3A_888 : i32
      %add3A_890 = vector.broadcast %add3A_889 : i32 to vector<16xi32>
      %add3A_891 = arith.addi %add3A_117, %add3A_890 : vector<16xi32>
      %gather3A_892 = tpu.vector_load_idx %arg9[%add3A_891] : memref<7344xf32, #tpu.memory_space<vmem>>[vector<16xi32>], vector<16xf32>,
      %add3A_893 = arith.constant 7 : i32
      %add3A_894 = arith.addi %mul3A_585, %add3A_893 : i32
      %add3A_895 = vector.broadcast %add3A_894 : i32 to vector<16xi32>
      %add3A_896 = arith.addi %add3A_117, %add3A_895 : vector<16xi32>
      %gather3A_897 = tpu.vector_load_idx %arg9[%add3A_896] : memref<7344xf32, #tpu.memory_space<vmem>>[vector<16xi32>], vector<16xf32>,
      %mul3A_898 = arith.mulf %gather3A_862, %gather3A_592 : vector<16xf32>
      %mul3A_899 = arith.mulf %gather3A_867, %gather3A_599 : vector<16xf32>
      %mul3A_900 = arith.mulf %gather3A_872, %gather3A_606 : vector<16xf32>
      %mul3A_901 = arith.mulf %gather3A_877, %gather3A_613 : vector<16xf32>
      %mul3A_902 = arith.mulf %gather3A_882, %gather3A_620 : vector<16xf32>
      %mul3A_903 = arith.mulf %gather3A_887, %gather3A_627 : vector<16xf32>
      %mul3A_904 = arith.mulf %gather3A_892, %gather3A_634 : vector<16xf32>
      %mul3A_905 = arith.mulf %gather3A_897, %gather3A_641 : vector<16xf32>
      %add3A_906 = arith.addf %mul3A_898, %mul3A_899 : vector<16xf32>
      %add3A_907 = arith.addf %mul3A_900, %mul3A_901 : vector<16xf32>
      %add3A_908 = arith.addf %mul3A_902, %mul3A_903 : vector<16xf32>
      %add3A_909 = arith.addf %mul3A_904, %mul3A_905 : vector<16xf32>
      %add3A_910 = arith.addf %add3A_906, %add3A_907 : vector<16xf32>
      %add3A_911 = arith.addf %add3A_908, %add3A_909 : vector<16xf32>
      %add3A_912 = arith.addf %add3A_910, %add3A_911 : vector<16xf32>
      %add3A_913 = arith.addf %scan3A_582, %add3A_912 : vector<16xf32>
      %mul3A_914 = arith.mulf %gather3A_862, %gather3A_862 : vector<16xf32>
      %mul3A_915 = arith.mulf %gather3A_867, %gather3A_867 : vector<16xf32>
      %mul3A_916 = arith.mulf %gather3A_872, %gather3A_872 : vector<16xf32>
      %mul3A_917 = arith.mulf %gather3A_877, %gather3A_877 : vector<16xf32>
      %mul3A_918 = arith.mulf %gather3A_882, %gather3A_882 : vector<16xf32>
      %mul3A_919 = arith.mulf %gather3A_887, %gather3A_887 : vector<16xf32>
      %mul3A_920 = arith.mulf %gather3A_892, %gather3A_892 : vector<16xf32>
      %mul3A_921 = arith.mulf %gather3A_897, %gather3A_897 : vector<16xf32>
      %add3A_922 = arith.addf %mul3A_914, %mul3A_915 : vector<16xf32>
      %add3A_923 = arith.addf %mul3A_916, %mul3A_917 : vector<16xf32>
      %add3A_924 = arith.addf %mul3A_918, %mul3A_919 : vector<16xf32>
      %add3A_925 = arith.addf %mul3A_920, %mul3A_921 : vector<16xf32>
      %add3A_926 = arith.addf %add3A_922, %add3A_923 : vector<16xf32>
      %add3A_927 = arith.addf %add3A_924, %add3A_925 : vector<16xf32>
      %add3A_928 = arith.addf %add3A_926, %add3A_927 : vector<16xf32>
      %add3A_929 = arith.addf %scan3A_583, %add3A_928 : vector<16xf32>
      scf.yield %add3A_697, %add3A_713, %add3A_769, %add3A_785, %add3A_841, %add3A_857, %add3A_913, %add3A_929 : vector<16xf32>, vector<16xf32>, vector<16xf32>, vector<16xf32>, vector<16xf32>, vector<16xf32>, vector<16xf32>, vector<16xf32>
    }
    %scan3A_122 = arith.constant 4 : i32
    %dma_wait3A_123 = arith.constant 0 : i32
    %dma_wait3A_124 = tpu.memref_slice %arg2[%dma_wait3A_123] : memref<524288xi32, #tpu.memory_space<hbm>> -> memref<524288xi32, #tpu.memory_space<hbm>>
    tpu.wait_indirect_dma semaphore(%arg13 : memref<!tpu.dma_semaphore, #tpu.memory_space<semaphore_mem>>) src(%dma_wait3A_124 : memref<524288xi32, #tpu.memory_space<hbm>>) dst(%arg8 : memref<64xi32, #tpu.memory_space<vmem>>)
    %get3A_125 = arith.constant 0 : index
    %get3A_126 = tpu.vector_load %arg8[%get3A_125] {strides = array<i32>} : memref<64xi32, #tpu.memory_space<vmem>>, vector<16xi32>,
    %get3A_127 = arith.constant 16 : index
    %get3A_128 = tpu.vector_load %arg8[%get3A_127] {strides = array<i32>} : memref<64xi32, #tpu.memory_space<vmem>>, vector<16xi32>,
    %get3A_129 = arith.constant 32 : index
    %get3A_130 = tpu.vector_load %arg8[%get3A_129] {strides = array<i32>} : memref<64xi32, #tpu.memory_space<vmem>>, vector<16xi32>,
    %get3A_131 = arith.constant 48 : index
    %get3A_132 = tpu.vector_load %arg8[%get3A_131] {strides = array<i32>} : memref<64xi32, #tpu.memory_space<vmem>>, vector<16xi32>,
    %mul3A_133 = arith.constant 96 : i32
    %mul3A_134 = vector.broadcast %mul3A_133 : i32 to vector<16xi32>
    %mul3A_135 = arith.muli %get3A_126, %mul3A_134 : vector<16xi32>
    %mul3A_136 = arith.constant 96 : i32
    %mul3A_137 = vector.broadcast %mul3A_136 : i32 to vector<16xi32>
    %mul3A_138 = arith.muli %get3A_128, %mul3A_137 : vector<16xi32>
    %mul3A_139 = arith.constant 96 : i32
    %mul3A_140 = vector.broadcast %mul3A_139 : i32 to vector<16xi32>
    %mul3A_141 = arith.muli %get3A_130, %mul3A_140 : vector<16xi32>
    %mul3A_142 = arith.constant 96 : i32
    %mul3A_143 = vector.broadcast %mul3A_142 : i32 to vector<16xi32>
    %mul3A_144 = arith.muli %get3A_132, %mul3A_143 : vector<16xi32>
    %scan3A_145 = arith.constant 0 : i32
    %scan3A_146 = arith.constant 12 : i32
    %scan3A_147 = arith.addi %scan3A_145, %scan3A_146 : i32
    %scan3A_148 = arith.constant 1 : i32
    %scan3A_149:8 = scf.for %scan3A_575 = %scan3A_145 to %scan3A_147 step %scan3A_148 iter_args(%scan3A_576 = %broadcast_in_dim3A_75, %scan3A_577 = %broadcast_in_dim3A_75, %scan3A_578 = %broadcast_in_dim3A_75, %scan3A_579 = %broadcast_in_dim3A_75, %scan3A_580 = %broadcast_in_dim3A_75, %scan3A_581 = %broadcast_in_dim3A_75, %scan3A_582 = %broadcast_in_dim3A_75, %scan3A_583 = %broadcast_in_dim3A_75) -> (vector<16xf32>, vector<16xf32>, vector<16xf32>, vector<16xf32>, vector<16xf32>, vector<16xf32>, vector<16xf32>, vector<16xf32>)  : i32 {
      %mul3A_584 = arith.constant 8 : i32
      %mul3A_585 = arith.muli %scan3A_575, %mul3A_584 : i32
      %add3A_586 = arith.constant 7200 : i32
      %add3A_587 = arith.addi %add3A_586, %mul3A_585 : i32
      %add3A_588 = arith.constant 0 : i32
      %add3A_589 = arith.addi %add3A_587, %add3A_588 : i32
      %add3A_590 = vector.broadcast %add3A_589 : i32 to vector<16xi32>
      %add3A_591 = arith.addi %broadcast_in_dim3A_77, %add3A_590 : vector<16xi32>
      %gather3A_592 = tpu.vector_load_idx %arg9[%add3A_591] : memref<7344xf32, #tpu.memory_space<vmem>>[vector<16xi32>], vector<16xf32>,
      %add3A_593 = arith.constant 7200 : i32
      %add3A_594 = arith.addi %add3A_593, %mul3A_585 : i32
      %add3A_595 = arith.constant 1 : i32
      %add3A_596 = arith.addi %add3A_594, %add3A_595 : i32
      %add3A_597 = vector.broadcast %add3A_596 : i32 to vector<16xi32>
      %add3A_598 = arith.addi %broadcast_in_dim3A_77, %add3A_597 : vector<16xi32>
      %gather3A_599 = tpu.vector_load_idx %arg9[%add3A_598] : memref<7344xf32, #tpu.memory_space<vmem>>[vector<16xi32>], vector<16xf32>,
      %add3A_600 = arith.constant 7200 : i32
      %add3A_601 = arith.addi %add3A_600, %mul3A_585 : i32
      %add3A_602 = arith.constant 2 : i32
      %add3A_603 = arith.addi %add3A_601, %add3A_602 : i32
      %add3A_604 = vector.broadcast %add3A_603 : i32 to vector<16xi32>
      %add3A_605 = arith.addi %broadcast_in_dim3A_77, %add3A_604 : vector<16xi32>
      %gather3A_606 = tpu.vector_load_idx %arg9[%add3A_605] : memref<7344xf32, #tpu.memory_space<vmem>>[vector<16xi32>], vector<16xf32>,
      %add3A_607 = arith.constant 7200 : i32
      %add3A_608 = arith.addi %add3A_607, %mul3A_585 : i32
      %add3A_609 = arith.constant 3 : i32
      %add3A_610 = arith.addi %add3A_608, %add3A_609 : i32
      %add3A_611 = vector.broadcast %add3A_610 : i32 to vector<16xi32>
      %add3A_612 = arith.addi %broadcast_in_dim3A_77, %add3A_611 : vector<16xi32>
      %gather3A_613 = tpu.vector_load_idx %arg9[%add3A_612] : memref<7344xf32, #tpu.memory_space<vmem>>[vector<16xi32>], vector<16xf32>,
      %add3A_614 = arith.constant 7200 : i32
      %add3A_615 = arith.addi %add3A_614, %mul3A_585 : i32
      %add3A_616 = arith.constant 4 : i32
      %add3A_617 = arith.addi %add3A_615, %add3A_616 : i32
      %add3A_618 = vector.broadcast %add3A_617 : i32 to vector<16xi32>
      %add3A_619 = arith.addi %broadcast_in_dim3A_77, %add3A_618 : vector<16xi32>
      %gather3A_620 = tpu.vector_load_idx %arg9[%add3A_619] : memref<7344xf32, #tpu.memory_space<vmem>>[vector<16xi32>], vector<16xf32>,
      %add3A_621 = arith.constant 7200 : i32
      %add3A_622 = arith.addi %add3A_621, %mul3A_585 : i32
      %add3A_623 = arith.constant 5 : i32
      %add3A_624 = arith.addi %add3A_622, %add3A_623 : i32
      %add3A_625 = vector.broadcast %add3A_624 : i32 to vector<16xi32>
      %add3A_626 = arith.addi %broadcast_in_dim3A_77, %add3A_625 : vector<16xi32>
      %gather3A_627 = tpu.vector_load_idx %arg9[%add3A_626] : memref<7344xf32, #tpu.memory_space<vmem>>[vector<16xi32>], vector<16xf32>,
      %add3A_628 = arith.constant 7200 : i32
      %add3A_629 = arith.addi %add3A_628, %mul3A_585 : i32
      %add3A_630 = arith.constant 6 : i32
      %add3A_631 = arith.addi %add3A_629, %add3A_630 : i32
      %add3A_632 = vector.broadcast %add3A_631 : i32 to vector<16xi32>
      %add3A_633 = arith.addi %broadcast_in_dim3A_77, %add3A_632 : vector<16xi32>
      %gather3A_634 = tpu.vector_load_idx %arg9[%add3A_633] : memref<7344xf32, #tpu.memory_space<vmem>>[vector<16xi32>], vector<16xf32>,
      %add3A_635 = arith.constant 7200 : i32
      %add3A_636 = arith.addi %add3A_635, %mul3A_585 : i32
      %add3A_637 = arith.constant 7 : i32
      %add3A_638 = arith.addi %add3A_636, %add3A_637 : i32
      %add3A_639 = vector.broadcast %add3A_638 : i32 to vector<16xi32>
      %add3A_640 = arith.addi %broadcast_in_dim3A_77, %add3A_639 : vector<16xi32>
      %gather3A_641 = tpu.vector_load_idx %arg9[%add3A_640] : memref<7344xf32, #tpu.memory_space<vmem>>[vector<16xi32>], vector<16xf32>,
      %add3A_642 = arith.constant 0 : i32
      %add3A_643 = arith.addi %mul3A_585, %add3A_642 : i32
      %add3A_644 = vector.broadcast %add3A_643 : i32 to vector<16xi32>
      %add3A_645 = arith.addi %mul3A_135, %add3A_644 : vector<16xi32>
      %gather3A_646 = tpu.vector_load_idx %arg9[%add3A_645] : memref<7344xf32, #tpu.memory_space<vmem>>[vector<16xi32>], vector<16xf32>,
      %add3A_647 = arith.constant 1 : i32
      %add3A_648 = arith.addi %mul3A_585, %add3A_647 : i32
      %add3A_649 = vector.broadcast %add3A_648 : i32 to vector<16xi32>
      %add3A_650 = arith.addi %mul3A_135, %add3A_649 : vector<16xi32>
      %gather3A_651 = tpu.vector_load_idx %arg9[%add3A_650] : memref<7344xf32, #tpu.memory_space<vmem>>[vector<16xi32>], vector<16xf32>,
      %add3A_652 = arith.constant 2 : i32
      %add3A_653 = arith.addi %mul3A_585, %add3A_652 : i32
      %add3A_654 = vector.broadcast %add3A_653 : i32 to vector<16xi32>
      %add3A_655 = arith.addi %mul3A_135, %add3A_654 : vector<16xi32>
      %gather3A_656 = tpu.vector_load_idx %arg9[%add3A_655] : memref<7344xf32, #tpu.memory_space<vmem>>[vector<16xi32>], vector<16xf32>,
      %add3A_657 = arith.constant 3 : i32
      %add3A_658 = arith.addi %mul3A_585, %add3A_657 : i32
      %add3A_659 = vector.broadcast %add3A_658 : i32 to vector<16xi32>
      %add3A_660 = arith.addi %mul3A_135, %add3A_659 : vector<16xi32>
      %gather3A_661 = tpu.vector_load_idx %arg9[%add3A_660] : memref<7344xf32, #tpu.memory_space<vmem>>[vector<16xi32>], vector<16xf32>,
      %add3A_662 = arith.constant 4 : i32
      %add3A_663 = arith.addi %mul3A_585, %add3A_662 : i32
      %add3A_664 = vector.broadcast %add3A_663 : i32 to vector<16xi32>
      %add3A_665 = arith.addi %mul3A_135, %add3A_664 : vector<16xi32>
      %gather3A_666 = tpu.vector_load_idx %arg9[%add3A_665] : memref<7344xf32, #tpu.memory_space<vmem>>[vector<16xi32>], vector<16xf32>,
      %add3A_667 = arith.constant 5 : i32
      %add3A_668 = arith.addi %mul3A_585, %add3A_667 : i32
      %add3A_669 = vector.broadcast %add3A_668 : i32 to vector<16xi32>
      %add3A_670 = arith.addi %mul3A_135, %add3A_669 : vector<16xi32>
      %gather3A_671 = tpu.vector_load_idx %arg9[%add3A_670] : memref<7344xf32, #tpu.memory_space<vmem>>[vector<16xi32>], vector<16xf32>,
      %add3A_672 = arith.constant 6 : i32
      %add3A_673 = arith.addi %mul3A_585, %add3A_672 : i32
      %add3A_674 = vector.broadcast %add3A_673 : i32 to vector<16xi32>
      %add3A_675 = arith.addi %mul3A_135, %add3A_674 : vector<16xi32>
      %gather3A_676 = tpu.vector_load_idx %arg9[%add3A_675] : memref<7344xf32, #tpu.memory_space<vmem>>[vector<16xi32>], vector<16xf32>,
      %add3A_677 = arith.constant 7 : i32
      %add3A_678 = arith.addi %mul3A_585, %add3A_677 : i32
      %add3A_679 = vector.broadcast %add3A_678 : i32 to vector<16xi32>
      %add3A_680 = arith.addi %mul3A_135, %add3A_679 : vector<16xi32>
      %gather3A_681 = tpu.vector_load_idx %arg9[%add3A_680] : memref<7344xf32, #tpu.memory_space<vmem>>[vector<16xi32>], vector<16xf32>,
      %mul3A_682 = arith.mulf %gather3A_646, %gather3A_592 : vector<16xf32>
      %mul3A_683 = arith.mulf %gather3A_651, %gather3A_599 : vector<16xf32>
      %mul3A_684 = arith.mulf %gather3A_656, %gather3A_606 : vector<16xf32>
      %mul3A_685 = arith.mulf %gather3A_661, %gather3A_613 : vector<16xf32>
      %mul3A_686 = arith.mulf %gather3A_666, %gather3A_620 : vector<16xf32>
      %mul3A_687 = arith.mulf %gather3A_671, %gather3A_627 : vector<16xf32>
      %mul3A_688 = arith.mulf %gather3A_676, %gather3A_634 : vector<16xf32>
      %mul3A_689 = arith.mulf %gather3A_681, %gather3A_641 : vector<16xf32>
      %add3A_690 = arith.addf %mul3A_682, %mul3A_683 : vector<16xf32>
      %add3A_691 = arith.addf %mul3A_684, %mul3A_685 : vector<16xf32>
      %add3A_692 = arith.addf %mul3A_686, %mul3A_687 : vector<16xf32>
      %add3A_693 = arith.addf %mul3A_688, %mul3A_689 : vector<16xf32>
      %add3A_694 = arith.addf %add3A_690, %add3A_691 : vector<16xf32>
      %add3A_695 = arith.addf %add3A_692, %add3A_693 : vector<16xf32>
      %add3A_696 = arith.addf %add3A_694, %add3A_695 : vector<16xf32>
      %add3A_697 = arith.addf %scan3A_576, %add3A_696 : vector<16xf32>
      %mul3A_698 = arith.mulf %gather3A_646, %gather3A_646 : vector<16xf32>
      %mul3A_699 = arith.mulf %gather3A_651, %gather3A_651 : vector<16xf32>
      %mul3A_700 = arith.mulf %gather3A_656, %gather3A_656 : vector<16xf32>
      %mul3A_701 = arith.mulf %gather3A_661, %gather3A_661 : vector<16xf32>
      %mul3A_702 = arith.mulf %gather3A_666, %gather3A_666 : vector<16xf32>
      %mul3A_703 = arith.mulf %gather3A_671, %gather3A_671 : vector<16xf32>
      %mul3A_704 = arith.mulf %gather3A_676, %gather3A_676 : vector<16xf32>
      %mul3A_705 = arith.mulf %gather3A_681, %gather3A_681 : vector<16xf32>
      %add3A_706 = arith.addf %mul3A_698, %mul3A_699 : vector<16xf32>
      %add3A_707 = arith.addf %mul3A_700, %mul3A_701 : vector<16xf32>
      %add3A_708 = arith.addf %mul3A_702, %mul3A_703 : vector<16xf32>
      %add3A_709 = arith.addf %mul3A_704, %mul3A_705 : vector<16xf32>
      %add3A_710 = arith.addf %add3A_706, %add3A_707 : vector<16xf32>
      %add3A_711 = arith.addf %add3A_708, %add3A_709 : vector<16xf32>
      %add3A_712 = arith.addf %add3A_710, %add3A_711 : vector<16xf32>
      %add3A_713 = arith.addf %scan3A_577, %add3A_712 : vector<16xf32>
      %add3A_714 = arith.constant 0 : i32
      %add3A_715 = arith.addi %mul3A_585, %add3A_714 : i32
      %add3A_716 = vector.broadcast %add3A_715 : i32 to vector<16xi32>
      %add3A_717 = arith.addi %mul3A_138, %add3A_716 : vector<16xi32>
      %gather3A_718 = tpu.vector_load_idx %arg9[%add3A_717] : memref<7344xf32, #tpu.memory_space<vmem>>[vector<16xi32>], vector<16xf32>,
      %add3A_719 = arith.constant 1 : i32
      %add3A_720 = arith.addi %mul3A_585, %add3A_719 : i32
      %add3A_721 = vector.broadcast %add3A_720 : i32 to vector<16xi32>
      %add3A_722 = arith.addi %mul3A_138, %add3A_721 : vector<16xi32>
      %gather3A_723 = tpu.vector_load_idx %arg9[%add3A_722] : memref<7344xf32, #tpu.memory_space<vmem>>[vector<16xi32>], vector<16xf32>,
      %add3A_724 = arith.constant 2 : i32
      %add3A_725 = arith.addi %mul3A_585, %add3A_724 : i32
      %add3A_726 = vector.broadcast %add3A_725 : i32 to vector<16xi32>
      %add3A_727 = arith.addi %mul3A_138, %add3A_726 : vector<16xi32>
      %gather3A_728 = tpu.vector_load_idx %arg9[%add3A_727] : memref<7344xf32, #tpu.memory_space<vmem>>[vector<16xi32>], vector<16xf32>,
      %add3A_729 = arith.constant 3 : i32
      %add3A_730 = arith.addi %mul3A_585, %add3A_729 : i32
      %add3A_731 = vector.broadcast %add3A_730 : i32 to vector<16xi32>
      %add3A_732 = arith.addi %mul3A_138, %add3A_731 : vector<16xi32>
      %gather3A_733 = tpu.vector_load_idx %arg9[%add3A_732] : memref<7344xf32, #tpu.memory_space<vmem>>[vector<16xi32>], vector<16xf32>,
      %add3A_734 = arith.constant 4 : i32
      %add3A_735 = arith.addi %mul3A_585, %add3A_734 : i32
      %add3A_736 = vector.broadcast %add3A_735 : i32 to vector<16xi32>
      %add3A_737 = arith.addi %mul3A_138, %add3A_736 : vector<16xi32>
      %gather3A_738 = tpu.vector_load_idx %arg9[%add3A_737] : memref<7344xf32, #tpu.memory_space<vmem>>[vector<16xi32>], vector<16xf32>,
      %add3A_739 = arith.constant 5 : i32
      %add3A_740 = arith.addi %mul3A_585, %add3A_739 : i32
      %add3A_741 = vector.broadcast %add3A_740 : i32 to vector<16xi32>
      %add3A_742 = arith.addi %mul3A_138, %add3A_741 : vector<16xi32>
      %gather3A_743 = tpu.vector_load_idx %arg9[%add3A_742] : memref<7344xf32, #tpu.memory_space<vmem>>[vector<16xi32>], vector<16xf32>,
      %add3A_744 = arith.constant 6 : i32
      %add3A_745 = arith.addi %mul3A_585, %add3A_744 : i32
      %add3A_746 = vector.broadcast %add3A_745 : i32 to vector<16xi32>
      %add3A_747 = arith.addi %mul3A_138, %add3A_746 : vector<16xi32>
      %gather3A_748 = tpu.vector_load_idx %arg9[%add3A_747] : memref<7344xf32, #tpu.memory_space<vmem>>[vector<16xi32>], vector<16xf32>,
      %add3A_749 = arith.constant 7 : i32
      %add3A_750 = arith.addi %mul3A_585, %add3A_749 : i32
      %add3A_751 = vector.broadcast %add3A_750 : i32 to vector<16xi32>
      %add3A_752 = arith.addi %mul3A_138, %add3A_751 : vector<16xi32>
      %gather3A_753 = tpu.vector_load_idx %arg9[%add3A_752] : memref<7344xf32, #tpu.memory_space<vmem>>[vector<16xi32>], vector<16xf32>,
      %mul3A_754 = arith.mulf %gather3A_718, %gather3A_592 : vector<16xf32>
      %mul3A_755 = arith.mulf %gather3A_723, %gather3A_599 : vector<16xf32>
      %mul3A_756 = arith.mulf %gather3A_728, %gather3A_606 : vector<16xf32>
      %mul3A_757 = arith.mulf %gather3A_733, %gather3A_613 : vector<16xf32>
      %mul3A_758 = arith.mulf %gather3A_738, %gather3A_620 : vector<16xf32>
      %mul3A_759 = arith.mulf %gather3A_743, %gather3A_627 : vector<16xf32>
      %mul3A_760 = arith.mulf %gather3A_748, %gather3A_634 : vector<16xf32>
      %mul3A_761 = arith.mulf %gather3A_753, %gather3A_641 : vector<16xf32>
      %add3A_762 = arith.addf %mul3A_754, %mul3A_755 : vector<16xf32>
      %add3A_763 = arith.addf %mul3A_756, %mul3A_757 : vector<16xf32>
      %add3A_764 = arith.addf %mul3A_758, %mul3A_759 : vector<16xf32>
      %add3A_765 = arith.addf %mul3A_760, %mul3A_761 : vector<16xf32>
      %add3A_766 = arith.addf %add3A_762, %add3A_763 : vector<16xf32>
      %add3A_767 = arith.addf %add3A_764, %add3A_765 : vector<16xf32>
      %add3A_768 = arith.addf %add3A_766, %add3A_767 : vector<16xf32>
      %add3A_769 = arith.addf %scan3A_578, %add3A_768 : vector<16xf32>
      %mul3A_770 = arith.mulf %gather3A_718, %gather3A_718 : vector<16xf32>
      %mul3A_771 = arith.mulf %gather3A_723, %gather3A_723 : vector<16xf32>
      %mul3A_772 = arith.mulf %gather3A_728, %gather3A_728 : vector<16xf32>
      %mul3A_773 = arith.mulf %gather3A_733, %gather3A_733 : vector<16xf32>
      %mul3A_774 = arith.mulf %gather3A_738, %gather3A_738 : vector<16xf32>
      %mul3A_775 = arith.mulf %gather3A_743, %gather3A_743 : vector<16xf32>
      %mul3A_776 = arith.mulf %gather3A_748, %gather3A_748 : vector<16xf32>
      %mul3A_777 = arith.mulf %gather3A_753, %gather3A_753 : vector<16xf32>
      %add3A_778 = arith.addf %mul3A_770, %mul3A_771 : vector<16xf32>
      %add3A_779 = arith.addf %mul3A_772, %mul3A_773 : vector<16xf32>
      %add3A_780 = arith.addf %mul3A_774, %mul3A_775 : vector<16xf32>
      %add3A_781 = arith.addf %mul3A_776, %mul3A_777 : vector<16xf32>
      %add3A_782 = arith.addf %add3A_778, %add3A_779 : vector<16xf32>
      %add3A_783 = arith.addf %add3A_780, %add3A_781 : vector<16xf32>
      %add3A_784 = arith.addf %add3A_782, %add3A_783 : vector<16xf32>
      %add3A_785 = arith.addf %scan3A_579, %add3A_784 : vector<16xf32>
      %add3A_786 = arith.constant 0 : i32
      %add3A_787 = arith.addi %mul3A_585, %add3A_786 : i32
      %add3A_788 = vector.broadcast %add3A_787 : i32 to vector<16xi32>
      %add3A_789 = arith.addi %mul3A_141, %add3A_788 : vector<16xi32>
      %gather3A_790 = tpu.vector_load_idx %arg9[%add3A_789] : memref<7344xf32, #tpu.memory_space<vmem>>[vector<16xi32>], vector<16xf32>,
      %add3A_791 = arith.constant 1 : i32
      %add3A_792 = arith.addi %mul3A_585, %add3A_791 : i32
      %add3A_793 = vector.broadcast %add3A_792 : i32 to vector<16xi32>
      %add3A_794 = arith.addi %mul3A_141, %add3A_793 : vector<16xi32>
      %gather3A_795 = tpu.vector_load_idx %arg9[%add3A_794] : memref<7344xf32, #tpu.memory_space<vmem>>[vector<16xi32>], vector<16xf32>,
      %add3A_796 = arith.constant 2 : i32
      %add3A_797 = arith.addi %mul3A_585, %add3A_796 : i32
      %add3A_798 = vector.broadcast %add3A_797 : i32 to vector<16xi32>
      %add3A_799 = arith.addi %mul3A_141, %add3A_798 : vector<16xi32>
      %gather3A_800 = tpu.vector_load_idx %arg9[%add3A_799] : memref<7344xf32, #tpu.memory_space<vmem>>[vector<16xi32>], vector<16xf32>,
      %add3A_801 = arith.constant 3 : i32
      %add3A_802 = arith.addi %mul3A_585, %add3A_801 : i32
      %add3A_803 = vector.broadcast %add3A_802 : i32 to vector<16xi32>
      %add3A_804 = arith.addi %mul3A_141, %add3A_803 : vector<16xi32>
      %gather3A_805 = tpu.vector_load_idx %arg9[%add3A_804] : memref<7344xf32, #tpu.memory_space<vmem>>[vector<16xi32>], vector<16xf32>,
      %add3A_806 = arith.constant 4 : i32
      %add3A_807 = arith.addi %mul3A_585, %add3A_806 : i32
      %add3A_808 = vector.broadcast %add3A_807 : i32 to vector<16xi32>
      %add3A_809 = arith.addi %mul3A_141, %add3A_808 : vector<16xi32>
      %gather3A_810 = tpu.vector_load_idx %arg9[%add3A_809] : memref<7344xf32, #tpu.memory_space<vmem>>[vector<16xi32>], vector<16xf32>,
      %add3A_811 = arith.constant 5 : i32
      %add3A_812 = arith.addi %mul3A_585, %add3A_811 : i32
      %add3A_813 = vector.broadcast %add3A_812 : i32 to vector<16xi32>
      %add3A_814 = arith.addi %mul3A_141, %add3A_813 : vector<16xi32>
      %gather3A_815 = tpu.vector_load_idx %arg9[%add3A_814] : memref<7344xf32, #tpu.memory_space<vmem>>[vector<16xi32>], vector<16xf32>,
      %add3A_816 = arith.constant 6 : i32
      %add3A_817 = arith.addi %mul3A_585, %add3A_816 : i32
      %add3A_818 = vector.broadcast %add3A_817 : i32 to vector<16xi32>
      %add3A_819 = arith.addi %mul3A_141, %add3A_818 : vector<16xi32>
      %gather3A_820 = tpu.vector_load_idx %arg9[%add3A_819] : memref<7344xf32, #tpu.memory_space<vmem>>[vector<16xi32>], vector<16xf32>,
      %add3A_821 = arith.constant 7 : i32
      %add3A_822 = arith.addi %mul3A_585, %add3A_821 : i32
      %add3A_823 = vector.broadcast %add3A_822 : i32 to vector<16xi32>
      %add3A_824 = arith.addi %mul3A_141, %add3A_823 : vector<16xi32>
      %gather3A_825 = tpu.vector_load_idx %arg9[%add3A_824] : memref<7344xf32, #tpu.memory_space<vmem>>[vector<16xi32>], vector<16xf32>,
      %mul3A_826 = arith.mulf %gather3A_790, %gather3A_592 : vector<16xf32>
      %mul3A_827 = arith.mulf %gather3A_795, %gather3A_599 : vector<16xf32>
      %mul3A_828 = arith.mulf %gather3A_800, %gather3A_606 : vector<16xf32>
      %mul3A_829 = arith.mulf %gather3A_805, %gather3A_613 : vector<16xf32>
      %mul3A_830 = arith.mulf %gather3A_810, %gather3A_620 : vector<16xf32>
      %mul3A_831 = arith.mulf %gather3A_815, %gather3A_627 : vector<16xf32>
      %mul3A_832 = arith.mulf %gather3A_820, %gather3A_634 : vector<16xf32>
      %mul3A_833 = arith.mulf %gather3A_825, %gather3A_641 : vector<16xf32>
      %add3A_834 = arith.addf %mul3A_826, %mul3A_827 : vector<16xf32>
      %add3A_835 = arith.addf %mul3A_828, %mul3A_829 : vector<16xf32>
      %add3A_836 = arith.addf %mul3A_830, %mul3A_831 : vector<16xf32>
      %add3A_837 = arith.addf %mul3A_832, %mul3A_833 : vector<16xf32>
      %add3A_838 = arith.addf %add3A_834, %add3A_835 : vector<16xf32>
      %add3A_839 = arith.addf %add3A_836, %add3A_837 : vector<16xf32>
      %add3A_840 = arith.addf %add3A_838, %add3A_839 : vector<16xf32>
      %add3A_841 = arith.addf %scan3A_580, %add3A_840 : vector<16xf32>
      %mul3A_842 = arith.mulf %gather3A_790, %gather3A_790 : vector<16xf32>
      %mul3A_843 = arith.mulf %gather3A_795, %gather3A_795 : vector<16xf32>
      %mul3A_844 = arith.mulf %gather3A_800, %gather3A_800 : vector<16xf32>
      %mul3A_845 = arith.mulf %gather3A_805, %gather3A_805 : vector<16xf32>
      %mul3A_846 = arith.mulf %gather3A_810, %gather3A_810 : vector<16xf32>
      %mul3A_847 = arith.mulf %gather3A_815, %gather3A_815 : vector<16xf32>
      %mul3A_848 = arith.mulf %gather3A_820, %gather3A_820 : vector<16xf32>
      %mul3A_849 = arith.mulf %gather3A_825, %gather3A_825 : vector<16xf32>
      %add3A_850 = arith.addf %mul3A_842, %mul3A_843 : vector<16xf32>
      %add3A_851 = arith.addf %mul3A_844, %mul3A_845 : vector<16xf32>
      %add3A_852 = arith.addf %mul3A_846, %mul3A_847 : vector<16xf32>
      %add3A_853 = arith.addf %mul3A_848, %mul3A_849 : vector<16xf32>
      %add3A_854 = arith.addf %add3A_850, %add3A_851 : vector<16xf32>
      %add3A_855 = arith.addf %add3A_852, %add3A_853 : vector<16xf32>
      %add3A_856 = arith.addf %add3A_854, %add3A_855 : vector<16xf32>
      %add3A_857 = arith.addf %scan3A_581, %add3A_856 : vector<16xf32>
      %add3A_858 = arith.constant 0 : i32
      %add3A_859 = arith.addi %mul3A_585, %add3A_858 : i32
      %add3A_860 = vector.broadcast %add3A_859 : i32 to vector<16xi32>
      %add3A_861 = arith.addi %mul3A_144, %add3A_860 : vector<16xi32>
      %gather3A_862 = tpu.vector_load_idx %arg9[%add3A_861] : memref<7344xf32, #tpu.memory_space<vmem>>[vector<16xi32>], vector<16xf32>,
      %add3A_863 = arith.constant 1 : i32
      %add3A_864 = arith.addi %mul3A_585, %add3A_863 : i32
      %add3A_865 = vector.broadcast %add3A_864 : i32 to vector<16xi32>
      %add3A_866 = arith.addi %mul3A_144, %add3A_865 : vector<16xi32>
      %gather3A_867 = tpu.vector_load_idx %arg9[%add3A_866] : memref<7344xf32, #tpu.memory_space<vmem>>[vector<16xi32>], vector<16xf32>,
      %add3A_868 = arith.constant 2 : i32
      %add3A_869 = arith.addi %mul3A_585, %add3A_868 : i32
      %add3A_870 = vector.broadcast %add3A_869 : i32 to vector<16xi32>
      %add3A_871 = arith.addi %mul3A_144, %add3A_870 : vector<16xi32>
      %gather3A_872 = tpu.vector_load_idx %arg9[%add3A_871] : memref<7344xf32, #tpu.memory_space<vmem>>[vector<16xi32>], vector<16xf32>,
      %add3A_873 = arith.constant 3 : i32
      %add3A_874 = arith.addi %mul3A_585, %add3A_873 : i32
      %add3A_875 = vector.broadcast %add3A_874 : i32 to vector<16xi32>
      %add3A_876 = arith.addi %mul3A_144, %add3A_875 : vector<16xi32>
      %gather3A_877 = tpu.vector_load_idx %arg9[%add3A_876] : memref<7344xf32, #tpu.memory_space<vmem>>[vector<16xi32>], vector<16xf32>,
      %add3A_878 = arith.constant 4 : i32
      %add3A_879 = arith.addi %mul3A_585, %add3A_878 : i32
      %add3A_880 = vector.broadcast %add3A_879 : i32 to vector<16xi32>
      %add3A_881 = arith.addi %mul3A_144, %add3A_880 : vector<16xi32>
      %gather3A_882 = tpu.vector_load_idx %arg9[%add3A_881] : memref<7344xf32, #tpu.memory_space<vmem>>[vector<16xi32>], vector<16xf32>,
      %add3A_883 = arith.constant 5 : i32
      %add3A_884 = arith.addi %mul3A_585, %add3A_883 : i32
      %add3A_885 = vector.broadcast %add3A_884 : i32 to vector<16xi32>
      %add3A_886 = arith.addi %mul3A_144, %add3A_885 : vector<16xi32>
      %gather3A_887 = tpu.vector_load_idx %arg9[%add3A_886] : memref<7344xf32, #tpu.memory_space<vmem>>[vector<16xi32>], vector<16xf32>,
      %add3A_888 = arith.constant 6 : i32
      %add3A_889 = arith.addi %mul3A_585, %add3A_888 : i32
      %add3A_890 = vector.broadcast %add3A_889 : i32 to vector<16xi32>
      %add3A_891 = arith.addi %mul3A_144, %add3A_890 : vector<16xi32>
      %gather3A_892 = tpu.vector_load_idx %arg9[%add3A_891] : memref<7344xf32, #tpu.memory_space<vmem>>[vector<16xi32>], vector<16xf32>,
      %add3A_893 = arith.constant 7 : i32
      %add3A_894 = arith.addi %mul3A_585, %add3A_893 : i32
      %add3A_895 = vector.broadcast %add3A_894 : i32 to vector<16xi32>
      %add3A_896 = arith.addi %mul3A_144, %add3A_895 : vector<16xi32>
      %gather3A_897 = tpu.vector_load_idx %arg9[%add3A_896] : memref<7344xf32, #tpu.memory_space<vmem>>[vector<16xi32>], vector<16xf32>,
      %mul3A_898 = arith.mulf %gather3A_862, %gather3A_592 : vector<16xf32>
      %mul3A_899 = arith.mulf %gather3A_867, %gather3A_599 : vector<16xf32>
      %mul3A_900 = arith.mulf %gather3A_872, %gather3A_606 : vector<16xf32>
      %mul3A_901 = arith.mulf %gather3A_877, %gather3A_613 : vector<16xf32>
      %mul3A_902 = arith.mulf %gather3A_882, %gather3A_620 : vector<16xf32>
      %mul3A_903 = arith.mulf %gather3A_887, %gather3A_627 : vector<16xf32>
      %mul3A_904 = arith.mulf %gather3A_892, %gather3A_634 : vector<16xf32>
      %mul3A_905 = arith.mulf %gather3A_897, %gather3A_641 : vector<16xf32>
      %add3A_906 = arith.addf %mul3A_898, %mul3A_899 : vector<16xf32>
      %add3A_907 = arith.addf %mul3A_900, %mul3A_901 : vector<16xf32>
      %add3A_908 = arith.addf %mul3A_902, %mul3A_903 : vector<16xf32>
      %add3A_909 = arith.addf %mul3A_904, %mul3A_905 : vector<16xf32>
      %add3A_910 = arith.addf %add3A_906, %add3A_907 : vector<16xf32>
      %add3A_911 = arith.addf %add3A_908, %add3A_909 : vector<16xf32>
      %add3A_912 = arith.addf %add3A_910, %add3A_911 : vector<16xf32>
      %add3A_913 = arith.addf %scan3A_582, %add3A_912 : vector<16xf32>
      %mul3A_914 = arith.mulf %gather3A_862, %gather3A_862 : vector<16xf32>
      %mul3A_915 = arith.mulf %gather3A_867, %gather3A_867 : vector<16xf32>
      %mul3A_916 = arith.mulf %gather3A_872, %gather3A_872 : vector<16xf32>
      %mul3A_917 = arith.mulf %gather3A_877, %gather3A_877 : vector<16xf32>
      %mul3A_918 = arith.mulf %gather3A_882, %gather3A_882 : vector<16xf32>
      %mul3A_919 = arith.mulf %gather3A_887, %gather3A_887 : vector<16xf32>
      %mul3A_920 = arith.mulf %gather3A_892, %gather3A_892 : vector<16xf32>
      %mul3A_921 = arith.mulf %gather3A_897, %gather3A_897 : vector<16xf32>
      %add3A_922 = arith.addf %mul3A_914, %mul3A_915 : vector<16xf32>
      %add3A_923 = arith.addf %mul3A_916, %mul3A_917 : vector<16xf32>
      %add3A_924 = arith.addf %mul3A_918, %mul3A_919 : vector<16xf32>
      %add3A_925 = arith.addf %mul3A_920, %mul3A_921 : vector<16xf32>
      %add3A_926 = arith.addf %add3A_922, %add3A_923 : vector<16xf32>
      %add3A_927 = arith.addf %add3A_924, %add3A_925 : vector<16xf32>
      %add3A_928 = arith.addf %add3A_926, %add3A_927 : vector<16xf32>
      %add3A_929 = arith.addf %scan3A_583, %add3A_928 : vector<16xf32>
      scf.yield %add3A_697, %add3A_713, %add3A_769, %add3A_785, %add3A_841, %add3A_857, %add3A_913, %add3A_929 : vector<16xf32>, vector<16xf32>, vector<16xf32>, vector<16xf32>, vector<16xf32>, vector<16xf32>, vector<16xf32>, vector<16xf32>
    }
    %scan3A_150 = arith.constant 12 : i32
    %max3A = arith.constant 9.99999996E-13 : f32
    %max3A_151 = vector.broadcast %max3A : f32 to vector<16xf32>
    %max3A_152 = arith.maximumf %scan3A_149#1, %max3A_151 : vector<16xf32>
    %bitcast_convert_type3A = tpu.bitcast %max3A_152 : vector<16xf32> -> vector<16xi32>
    %shift_right_logical3A = arith.constant 1 : i32
    %shift_right_logical3A_153 = vector.broadcast %shift_right_logical3A : i32 to vector<16xi32>
    %shift_right_logical3A_154 = arith.shrui %bitcast_convert_type3A, %shift_right_logical3A_153 : vector<16xi32>
    %sub3A_155 = arith.constant 1597463007 : i32
    %sub3A_156 = vector.broadcast %sub3A_155 : i32 to vector<16xi32>
    %sub3A_157 = arith.subi %sub3A_156, %shift_right_logical3A_154 : vector<16xi32>
    %bitcast_convert_type3A_158 = tpu.bitcast %sub3A_157 : vector<16xi32> -> vector<16xf32>
    %mul3A_159 = arith.constant 5.000000e-01 : f32
    %mul3A_160 = vector.broadcast %mul3A_159 : f32 to vector<16xf32>
    %mul3A_161 = arith.mulf %mul3A_160, %max3A_152 : vector<16xf32>
    %mul3A_162 = arith.mulf %mul3A_161, %bitcast_convert_type3A_158 : vector<16xf32>
    %mul3A_163 = arith.mulf %mul3A_162, %bitcast_convert_type3A_158 : vector<16xf32>
    %sub3A_164 = arith.constant 1.500000e+00 : f32
    %sub3A_165 = vector.broadcast %sub3A_164 : f32 to vector<16xf32>
    %sub3A_166 = arith.subf %sub3A_165, %mul3A_163 : vector<16xf32>
    %mul3A_167 = arith.mulf %bitcast_convert_type3A_158, %sub3A_166 : vector<16xf32>
    %mul3A_168 = arith.mulf %mul3A_161, %mul3A_167 : vector<16xf32>
    %mul3A_169 = arith.mulf %mul3A_168, %mul3A_167 : vector<16xf32>
    %sub3A_170 = arith.constant 1.500000e+00 : f32
    %sub3A_171 = vector.broadcast %sub3A_170 : f32 to vector<16xf32>
    %sub3A_172 = arith.subf %sub3A_171, %mul3A_169 : vector<16xf32>
    %mul3A_173 = arith.mulf %mul3A_167, %sub3A_172 : vector<16xf32>
    %mul3A_174 = arith.mulf %mul3A_161, %mul3A_173 : vector<16xf32>
    %mul3A_175 = arith.mulf %mul3A_174, %mul3A_173 : vector<16xf32>
    %sub3A_176 = arith.constant 1.500000e+00 : f32
    %sub3A_177 = vector.broadcast %sub3A_176 : f32 to vector<16xf32>
    %sub3A_178 = arith.subf %sub3A_177, %mul3A_175 : vector<16xf32>
    %mul3A_179 = arith.mulf %mul3A_173, %sub3A_178 : vector<16xf32>
    %mul3A_180 = arith.mulf %mul3A_161, %mul3A_179 : vector<16xf32>
    %mul3A_181 = arith.mulf %mul3A_180, %mul3A_179 : vector<16xf32>
    %sub3A_182 = arith.constant 1.500000e+00 : f32
    %sub3A_183 = vector.broadcast %sub3A_182 : f32 to vector<16xf32>
    %sub3A_184 = arith.subf %sub3A_183, %mul3A_181 : vector<16xf32>
    %mul3A_185 = arith.mulf %mul3A_179, %sub3A_184 : vector<16xf32>
    %mul3A_186 = arith.mulf %max3A_152, %mul3A_185 : vector<16xf32>
    %add3A_187 = arith.constant 1.000000e-07 : f32
    %add3A_188 = vector.broadcast %add3A_187 : f32 to vector<16xf32>
    %add3A_189 = arith.addf %mul3A_186, %add3A_188 : vector<16xf32>
    %div3A = arith.constant 2.000000e+00 : f32
    %div3A_190 = vector.broadcast %div3A : f32 to vector<16xf32>
    %div3A_191 = arith.divf %div3A_190, %add3A_189 : vector<16xf32>
    %min3A = arith.constant 1.000000e+00 : f32
    %min3A_192 = vector.broadcast %min3A : f32 to vector<16xf32>
    %min3A_193 = arith.minimumf %min3A_192, %div3A_191 : vector<16xf32>
    %mul3A_194 = arith.mulf %scan3A_149#0, %min3A_193 : vector<16xf32>
    %max3A_195 = arith.constant 9.99999996E-13 : f32
    %max3A_196 = vector.broadcast %max3A_195 : f32 to vector<16xf32>
    %max3A_197 = arith.maximumf %scan3A_121#1, %max3A_196 : vector<16xf32>
    %bitcast_convert_type3A_198 = tpu.bitcast %max3A_197 : vector<16xf32> -> vector<16xi32>
    %shift_right_logical3A_199 = arith.constant 1 : i32
    %shift_right_logical3A_200 = vector.broadcast %shift_right_logical3A_199 : i32 to vector<16xi32>
    %shift_right_logical3A_201 = arith.shrui %bitcast_convert_type3A_198, %shift_right_logical3A_200 : vector<16xi32>
    %sub3A_202 = arith.constant 1597463007 : i32
    %sub3A_203 = vector.broadcast %sub3A_202 : i32 to vector<16xi32>
    %sub3A_204 = arith.subi %sub3A_203, %shift_right_logical3A_201 : vector<16xi32>
    %bitcast_convert_type3A_205 = tpu.bitcast %sub3A_204 : vector<16xi32> -> vector<16xf32>
    %mul3A_206 = arith.constant 5.000000e-01 : f32
    %mul3A_207 = vector.broadcast %mul3A_206 : f32 to vector<16xf32>
    %mul3A_208 = arith.mulf %mul3A_207, %max3A_197 : vector<16xf32>
    %mul3A_209 = arith.mulf %mul3A_208, %bitcast_convert_type3A_205 : vector<16xf32>
    %mul3A_210 = arith.mulf %mul3A_209, %bitcast_convert_type3A_205 : vector<16xf32>
    %sub3A_211 = arith.constant 1.500000e+00 : f32
    %sub3A_212 = vector.broadcast %sub3A_211 : f32 to vector<16xf32>
    %sub3A_213 = arith.subf %sub3A_212, %mul3A_210 : vector<16xf32>
    %mul3A_214 = arith.mulf %bitcast_convert_type3A_205, %sub3A_213 : vector<16xf32>
    %mul3A_215 = arith.mulf %mul3A_208, %mul3A_214 : vector<16xf32>
    %mul3A_216 = arith.mulf %mul3A_215, %mul3A_214 : vector<16xf32>
    %sub3A_217 = arith.constant 1.500000e+00 : f32
    %sub3A_218 = vector.broadcast %sub3A_217 : f32 to vector<16xf32>
    %sub3A_219 = arith.subf %sub3A_218, %mul3A_216 : vector<16xf32>
    %mul3A_220 = arith.mulf %mul3A_214, %sub3A_219 : vector<16xf32>
    %mul3A_221 = arith.mulf %mul3A_208, %mul3A_220 : vector<16xf32>
    %mul3A_222 = arith.mulf %mul3A_221, %mul3A_220 : vector<16xf32>
    %sub3A_223 = arith.constant 1.500000e+00 : f32
    %sub3A_224 = vector.broadcast %sub3A_223 : f32 to vector<16xf32>
    %sub3A_225 = arith.subf %sub3A_224, %mul3A_222 : vector<16xf32>
    %mul3A_226 = arith.mulf %mul3A_220, %sub3A_225 : vector<16xf32>
    %mul3A_227 = arith.mulf %mul3A_208, %mul3A_226 : vector<16xf32>
    %mul3A_228 = arith.mulf %mul3A_227, %mul3A_226 : vector<16xf32>
    %sub3A_229 = arith.constant 1.500000e+00 : f32
    %sub3A_230 = vector.broadcast %sub3A_229 : f32 to vector<16xf32>
    %sub3A_231 = arith.subf %sub3A_230, %mul3A_228 : vector<16xf32>
    %mul3A_232 = arith.mulf %mul3A_226, %sub3A_231 : vector<16xf32>
    %mul3A_233 = arith.mulf %max3A_197, %mul3A_232 : vector<16xf32>
    %add3A_234 = arith.constant 1.000000e-07 : f32
    %add3A_235 = vector.broadcast %add3A_234 : f32 to vector<16xf32>
    %add3A_236 = arith.addf %mul3A_233, %add3A_235 : vector<16xf32>
    %div3A_237 = arith.constant 2.000000e+00 : f32
    %div3A_238 = vector.broadcast %div3A_237 : f32 to vector<16xf32>
    %div3A_239 = arith.divf %div3A_238, %add3A_236 : vector<16xf32>
    %min3A_240 = arith.constant 1.000000e+00 : f32
    %min3A_241 = vector.broadcast %min3A_240 : f32 to vector<16xf32>
    %min3A_242 = arith.minimumf %min3A_241, %div3A_239 : vector<16xf32>
    %mul3A_243 = arith.mulf %scan3A_121#0, %min3A_242 : vector<16xf32>
    %add3A_244 = arith.addf %mul3A_194, %mul3A_243 : vector<16xf32>
    %ne3A = arith.constant 0 : i32
    %ne3A_245 = vector.broadcast %ne3A : i32 to vector<16xi32>
    %ne3A_246 = arith.cmpi ne, %get3A_126, %ne3A_245 : vector<16xi32>
    %jit3A = arith.constant 0.000000e+00 : f32
    %broadcast_in_dim3A_247 = vector.broadcast %jit3A : f32 to vector<16xf32>
    %select_n3A = arith.select %ne3A_246, %add3A_244, %broadcast_in_dim3A_247 : vector<16xi1>, vector<16xf32>
    %add3A_248 = arith.addf %select_n3A, %get3A_74 : vector<16xf32>
    %swap3A_249 = arith.constant 0 : index
    %swap3A_250 = tpu.vector_load %arg10[%swap3A_249] {strides = array<i32>} : memref<64xf32, #tpu.memory_space<vmem>>, vector<16xf32>,
    tpu.vector_store %arg10[%swap3A_249], %add3A_248 {strides = array<i32>} : memref<64xf32, #tpu.memory_space<vmem>>, vector<16xf32>,
    %max3A_251 = arith.constant 9.99999996E-13 : f32
    %max3A_252 = vector.broadcast %max3A_251 : f32 to vector<16xf32>
    %max3A_253 = arith.maximumf %scan3A_149#3, %max3A_252 : vector<16xf32>
    %bitcast_convert_type3A_254 = tpu.bitcast %max3A_253 : vector<16xf32> -> vector<16xi32>
    %shift_right_logical3A_255 = arith.constant 1 : i32
    %shift_right_logical3A_256 = vector.broadcast %shift_right_logical3A_255 : i32 to vector<16xi32>
    %shift_right_logical3A_257 = arith.shrui %bitcast_convert_type3A_254, %shift_right_logical3A_256 : vector<16xi32>
    %sub3A_258 = arith.constant 1597463007 : i32
    %sub3A_259 = vector.broadcast %sub3A_258 : i32 to vector<16xi32>
    %sub3A_260 = arith.subi %sub3A_259, %shift_right_logical3A_257 : vector<16xi32>
    %bitcast_convert_type3A_261 = tpu.bitcast %sub3A_260 : vector<16xi32> -> vector<16xf32>
    %mul3A_262 = arith.constant 5.000000e-01 : f32
    %mul3A_263 = vector.broadcast %mul3A_262 : f32 to vector<16xf32>
    %mul3A_264 = arith.mulf %mul3A_263, %max3A_253 : vector<16xf32>
    %mul3A_265 = arith.mulf %mul3A_264, %bitcast_convert_type3A_261 : vector<16xf32>
    %mul3A_266 = arith.mulf %mul3A_265, %bitcast_convert_type3A_261 : vector<16xf32>
    %sub3A_267 = arith.constant 1.500000e+00 : f32
    %sub3A_268 = vector.broadcast %sub3A_267 : f32 to vector<16xf32>
    %sub3A_269 = arith.subf %sub3A_268, %mul3A_266 : vector<16xf32>
    %mul3A_270 = arith.mulf %bitcast_convert_type3A_261, %sub3A_269 : vector<16xf32>
    %mul3A_271 = arith.mulf %mul3A_264, %mul3A_270 : vector<16xf32>
    %mul3A_272 = arith.mulf %mul3A_271, %mul3A_270 : vector<16xf32>
    %sub3A_273 = arith.constant 1.500000e+00 : f32
    %sub3A_274 = vector.broadcast %sub3A_273 : f32 to vector<16xf32>
    %sub3A_275 = arith.subf %sub3A_274, %mul3A_272 : vector<16xf32>
    %mul3A_276 = arith.mulf %mul3A_270, %sub3A_275 : vector<16xf32>
    %mul3A_277 = arith.mulf %mul3A_264, %mul3A_276 : vector<16xf32>
    %mul3A_278 = arith.mulf %mul3A_277, %mul3A_276 : vector<16xf32>
    %sub3A_279 = arith.constant 1.500000e+00 : f32
    %sub3A_280 = vector.broadcast %sub3A_279 : f32 to vector<16xf32>
    %sub3A_281 = arith.subf %sub3A_280, %mul3A_278 : vector<16xf32>
    %mul3A_282 = arith.mulf %mul3A_276, %sub3A_281 : vector<16xf32>
    %mul3A_283 = arith.mulf %mul3A_264, %mul3A_282 : vector<16xf32>
    %mul3A_284 = arith.mulf %mul3A_283, %mul3A_282 : vector<16xf32>
    %sub3A_285 = arith.constant 1.500000e+00 : f32
    %sub3A_286 = vector.broadcast %sub3A_285 : f32 to vector<16xf32>
    %sub3A_287 = arith.subf %sub3A_286, %mul3A_284 : vector<16xf32>
    %mul3A_288 = arith.mulf %mul3A_282, %sub3A_287 : vector<16xf32>
    %mul3A_289 = arith.mulf %max3A_253, %mul3A_288 : vector<16xf32>
    %add3A_290 = arith.constant 1.000000e-07 : f32
    %add3A_291 = vector.broadcast %add3A_290 : f32 to vector<16xf32>
    %add3A_292 = arith.addf %mul3A_289, %add3A_291 : vector<16xf32>
    %div3A_293 = arith.constant 2.000000e+00 : f32
    %div3A_294 = vector.broadcast %div3A_293 : f32 to vector<16xf32>
    %div3A_295 = arith.divf %div3A_294, %add3A_292 : vector<16xf32>
    %min3A_296 = arith.constant 1.000000e+00 : f32
    %min3A_297 = vector.broadcast %min3A_296 : f32 to vector<16xf32>
    %min3A_298 = arith.minimumf %min3A_297, %div3A_295 : vector<16xf32>
    %mul3A_299 = arith.mulf %scan3A_149#2, %min3A_298 : vector<16xf32>
    %max3A_300 = arith.constant 9.99999996E-13 : f32
    %max3A_301 = vector.broadcast %max3A_300 : f32 to vector<16xf32>
    %max3A_302 = arith.maximumf %scan3A_121#3, %max3A_301 : vector<16xf32>
    %bitcast_convert_type3A_303 = tpu.bitcast %max3A_302 : vector<16xf32> -> vector<16xi32>
    %shift_right_logical3A_304 = arith.constant 1 : i32
    %shift_right_logical3A_305 = vector.broadcast %shift_right_logical3A_304 : i32 to vector<16xi32>
    %shift_right_logical3A_306 = arith.shrui %bitcast_convert_type3A_303, %shift_right_logical3A_305 : vector<16xi32>
    %sub3A_307 = arith.constant 1597463007 : i32
    %sub3A_308 = vector.broadcast %sub3A_307 : i32 to vector<16xi32>
    %sub3A_309 = arith.subi %sub3A_308, %shift_right_logical3A_306 : vector<16xi32>
    %bitcast_convert_type3A_310 = tpu.bitcast %sub3A_309 : vector<16xi32> -> vector<16xf32>
    %mul3A_311 = arith.constant 5.000000e-01 : f32
    %mul3A_312 = vector.broadcast %mul3A_311 : f32 to vector<16xf32>
    %mul3A_313 = arith.mulf %mul3A_312, %max3A_302 : vector<16xf32>
    %mul3A_314 = arith.mulf %mul3A_313, %bitcast_convert_type3A_310 : vector<16xf32>
    %mul3A_315 = arith.mulf %mul3A_314, %bitcast_convert_type3A_310 : vector<16xf32>
    %sub3A_316 = arith.constant 1.500000e+00 : f32
    %sub3A_317 = vector.broadcast %sub3A_316 : f32 to vector<16xf32>
    %sub3A_318 = arith.subf %sub3A_317, %mul3A_315 : vector<16xf32>
    %mul3A_319 = arith.mulf %bitcast_convert_type3A_310, %sub3A_318 : vector<16xf32>
    %mul3A_320 = arith.mulf %mul3A_313, %mul3A_319 : vector<16xf32>
    %mul3A_321 = arith.mulf %mul3A_320, %mul3A_319 : vector<16xf32>
    %sub3A_322 = arith.constant 1.500000e+00 : f32
    %sub3A_323 = vector.broadcast %sub3A_322 : f32 to vector<16xf32>
    %sub3A_324 = arith.subf %sub3A_323, %mul3A_321 : vector<16xf32>
    %mul3A_325 = arith.mulf %mul3A_319, %sub3A_324 : vector<16xf32>
    %mul3A_326 = arith.mulf %mul3A_313, %mul3A_325 : vector<16xf32>
    %mul3A_327 = arith.mulf %mul3A_326, %mul3A_325 : vector<16xf32>
    %sub3A_328 = arith.constant 1.500000e+00 : f32
    %sub3A_329 = vector.broadcast %sub3A_328 : f32 to vector<16xf32>
    %sub3A_330 = arith.subf %sub3A_329, %mul3A_327 : vector<16xf32>
    %mul3A_331 = arith.mulf %mul3A_325, %sub3A_330 : vector<16xf32>
    %mul3A_332 = arith.mulf %mul3A_313, %mul3A_331 : vector<16xf32>
    %mul3A_333 = arith.mulf %mul3A_332, %mul3A_331 : vector<16xf32>
    %sub3A_334 = arith.constant 1.500000e+00 : f32
    %sub3A_335 = vector.broadcast %sub3A_334 : f32 to vector<16xf32>
    %sub3A_336 = arith.subf %sub3A_335, %mul3A_333 : vector<16xf32>
    %mul3A_337 = arith.mulf %mul3A_331, %sub3A_336 : vector<16xf32>
    %mul3A_338 = arith.mulf %max3A_302, %mul3A_337 : vector<16xf32>
    %add3A_339 = arith.constant 1.000000e-07 : f32
    %add3A_340 = vector.broadcast %add3A_339 : f32 to vector<16xf32>
    %add3A_341 = arith.addf %mul3A_338, %add3A_340 : vector<16xf32>
    %div3A_342 = arith.constant 2.000000e+00 : f32
    %div3A_343 = vector.broadcast %div3A_342 : f32 to vector<16xf32>
    %div3A_344 = arith.divf %div3A_343, %add3A_341 : vector<16xf32>
    %min3A_345 = arith.constant 1.000000e+00 : f32
    %min3A_346 = vector.broadcast %min3A_345 : f32 to vector<16xf32>
    %min3A_347 = arith.minimumf %min3A_346, %div3A_344 : vector<16xf32>
    %mul3A_348 = arith.mulf %scan3A_121#2, %min3A_347 : vector<16xf32>
    %add3A_349 = arith.addf %mul3A_299, %mul3A_348 : vector<16xf32>
    %ne3A_350 = arith.constant 0 : i32
    %ne3A_351 = vector.broadcast %ne3A_350 : i32 to vector<16xi32>
    %ne3A_352 = arith.cmpi ne, %get3A_128, %ne3A_351 : vector<16xi32>
    %jit3A_353 = arith.constant 0.000000e+00 : f32
    %broadcast_in_dim3A_354 = vector.broadcast %jit3A_353 : f32 to vector<16xf32>
    %select_n3A_355 = arith.select %ne3A_352, %add3A_349, %broadcast_in_dim3A_354 : vector<16xi1>, vector<16xf32>
    %add3A_356 = arith.addf %select_n3A_355, %get3A_74 : vector<16xf32>
    %swap3A_357 = arith.constant 16 : index
    %swap3A_358 = tpu.vector_load %arg10[%swap3A_357] {strides = array<i32>} : memref<64xf32, #tpu.memory_space<vmem>>, vector<16xf32>,
    tpu.vector_store %arg10[%swap3A_357], %add3A_356 {strides = array<i32>} : memref<64xf32, #tpu.memory_space<vmem>>, vector<16xf32>,
    %max3A_359 = arith.constant 9.99999996E-13 : f32
    %max3A_360 = vector.broadcast %max3A_359 : f32 to vector<16xf32>
    %max3A_361 = arith.maximumf %scan3A_149#5, %max3A_360 : vector<16xf32>
    %bitcast_convert_type3A_362 = tpu.bitcast %max3A_361 : vector<16xf32> -> vector<16xi32>
    %shift_right_logical3A_363 = arith.constant 1 : i32
    %shift_right_logical3A_364 = vector.broadcast %shift_right_logical3A_363 : i32 to vector<16xi32>
    %shift_right_logical3A_365 = arith.shrui %bitcast_convert_type3A_362, %shift_right_logical3A_364 : vector<16xi32>
    %sub3A_366 = arith.constant 1597463007 : i32
    %sub3A_367 = vector.broadcast %sub3A_366 : i32 to vector<16xi32>
    %sub3A_368 = arith.subi %sub3A_367, %shift_right_logical3A_365 : vector<16xi32>
    %bitcast_convert_type3A_369 = tpu.bitcast %sub3A_368 : vector<16xi32> -> vector<16xf32>
    %mul3A_370 = arith.constant 5.000000e-01 : f32
    %mul3A_371 = vector.broadcast %mul3A_370 : f32 to vector<16xf32>
    %mul3A_372 = arith.mulf %mul3A_371, %max3A_361 : vector<16xf32>
    %mul3A_373 = arith.mulf %mul3A_372, %bitcast_convert_type3A_369 : vector<16xf32>
    %mul3A_374 = arith.mulf %mul3A_373, %bitcast_convert_type3A_369 : vector<16xf32>
    %sub3A_375 = arith.constant 1.500000e+00 : f32
    %sub3A_376 = vector.broadcast %sub3A_375 : f32 to vector<16xf32>
    %sub3A_377 = arith.subf %sub3A_376, %mul3A_374 : vector<16xf32>
    %mul3A_378 = arith.mulf %bitcast_convert_type3A_369, %sub3A_377 : vector<16xf32>
    %mul3A_379 = arith.mulf %mul3A_372, %mul3A_378 : vector<16xf32>
    %mul3A_380 = arith.mulf %mul3A_379, %mul3A_378 : vector<16xf32>
    %sub3A_381 = arith.constant 1.500000e+00 : f32
    %sub3A_382 = vector.broadcast %sub3A_381 : f32 to vector<16xf32>
    %sub3A_383 = arith.subf %sub3A_382, %mul3A_380 : vector<16xf32>
    %mul3A_384 = arith.mulf %mul3A_378, %sub3A_383 : vector<16xf32>
    %mul3A_385 = arith.mulf %mul3A_372, %mul3A_384 : vector<16xf32>
    %mul3A_386 = arith.mulf %mul3A_385, %mul3A_384 : vector<16xf32>
    %sub3A_387 = arith.constant 1.500000e+00 : f32
    %sub3A_388 = vector.broadcast %sub3A_387 : f32 to vector<16xf32>
    %sub3A_389 = arith.subf %sub3A_388, %mul3A_386 : vector<16xf32>
    %mul3A_390 = arith.mulf %mul3A_384, %sub3A_389 : vector<16xf32>
    %mul3A_391 = arith.mulf %mul3A_372, %mul3A_390 : vector<16xf32>
    %mul3A_392 = arith.mulf %mul3A_391, %mul3A_390 : vector<16xf32>
    %sub3A_393 = arith.constant 1.500000e+00 : f32
    %sub3A_394 = vector.broadcast %sub3A_393 : f32 to vector<16xf32>
    %sub3A_395 = arith.subf %sub3A_394, %mul3A_392 : vector<16xf32>
    %mul3A_396 = arith.mulf %mul3A_390, %sub3A_395 : vector<16xf32>
    %mul3A_397 = arith.mulf %max3A_361, %mul3A_396 : vector<16xf32>
    %add3A_398 = arith.constant 1.000000e-07 : f32
    %add3A_399 = vector.broadcast %add3A_398 : f32 to vector<16xf32>
    %add3A_400 = arith.addf %mul3A_397, %add3A_399 : vector<16xf32>
    %div3A_401 = arith.constant 2.000000e+00 : f32
    %div3A_402 = vector.broadcast %div3A_401 : f32 to vector<16xf32>
    %div3A_403 = arith.divf %div3A_402, %add3A_400 : vector<16xf32>
    %min3A_404 = arith.constant 1.000000e+00 : f32
    %min3A_405 = vector.broadcast %min3A_404 : f32 to vector<16xf32>
    %min3A_406 = arith.minimumf %min3A_405, %div3A_403 : vector<16xf32>
    %mul3A_407 = arith.mulf %scan3A_149#4, %min3A_406 : vector<16xf32>
    %max3A_408 = arith.constant 9.99999996E-13 : f32
    %max3A_409 = vector.broadcast %max3A_408 : f32 to vector<16xf32>
    %max3A_410 = arith.maximumf %scan3A_121#5, %max3A_409 : vector<16xf32>
    %bitcast_convert_type3A_411 = tpu.bitcast %max3A_410 : vector<16xf32> -> vector<16xi32>
    %shift_right_logical3A_412 = arith.constant 1 : i32
    %shift_right_logical3A_413 = vector.broadcast %shift_right_logical3A_412 : i32 to vector<16xi32>
    %shift_right_logical3A_414 = arith.shrui %bitcast_convert_type3A_411, %shift_right_logical3A_413 : vector<16xi32>
    %sub3A_415 = arith.constant 1597463007 : i32
    %sub3A_416 = vector.broadcast %sub3A_415 : i32 to vector<16xi32>
    %sub3A_417 = arith.subi %sub3A_416, %shift_right_logical3A_414 : vector<16xi32>
    %bitcast_convert_type3A_418 = tpu.bitcast %sub3A_417 : vector<16xi32> -> vector<16xf32>
    %mul3A_419 = arith.constant 5.000000e-01 : f32
    %mul3A_420 = vector.broadcast %mul3A_419 : f32 to vector<16xf32>
    %mul3A_421 = arith.mulf %mul3A_420, %max3A_410 : vector<16xf32>
    %mul3A_422 = arith.mulf %mul3A_421, %bitcast_convert_type3A_418 : vector<16xf32>
    %mul3A_423 = arith.mulf %mul3A_422, %bitcast_convert_type3A_418 : vector<16xf32>
    %sub3A_424 = arith.constant 1.500000e+00 : f32
    %sub3A_425 = vector.broadcast %sub3A_424 : f32 to vector<16xf32>
    %sub3A_426 = arith.subf %sub3A_425, %mul3A_423 : vector<16xf32>
    %mul3A_427 = arith.mulf %bitcast_convert_type3A_418, %sub3A_426 : vector<16xf32>
    %mul3A_428 = arith.mulf %mul3A_421, %mul3A_427 : vector<16xf32>
    %mul3A_429 = arith.mulf %mul3A_428, %mul3A_427 : vector<16xf32>
    %sub3A_430 = arith.constant 1.500000e+00 : f32
    %sub3A_431 = vector.broadcast %sub3A_430 : f32 to vector<16xf32>
    %sub3A_432 = arith.subf %sub3A_431, %mul3A_429 : vector<16xf32>
    %mul3A_433 = arith.mulf %mul3A_427, %sub3A_432 : vector<16xf32>
    %mul3A_434 = arith.mulf %mul3A_421, %mul3A_433 : vector<16xf32>
    %mul3A_435 = arith.mulf %mul3A_434, %mul3A_433 : vector<16xf32>
    %sub3A_436 = arith.constant 1.500000e+00 : f32
    %sub3A_437 = vector.broadcast %sub3A_436 : f32 to vector<16xf32>
    %sub3A_438 = arith.subf %sub3A_437, %mul3A_435 : vector<16xf32>
    %mul3A_439 = arith.mulf %mul3A_433, %sub3A_438 : vector<16xf32>
    %mul3A_440 = arith.mulf %mul3A_421, %mul3A_439 : vector<16xf32>
    %mul3A_441 = arith.mulf %mul3A_440, %mul3A_439 : vector<16xf32>
    %sub3A_442 = arith.constant 1.500000e+00 : f32
    %sub3A_443 = vector.broadcast %sub3A_442 : f32 to vector<16xf32>
    %sub3A_444 = arith.subf %sub3A_443, %mul3A_441 : vector<16xf32>
    %mul3A_445 = arith.mulf %mul3A_439, %sub3A_444 : vector<16xf32>
    %mul3A_446 = arith.mulf %max3A_410, %mul3A_445 : vector<16xf32>
    %add3A_447 = arith.constant 1.000000e-07 : f32
    %add3A_448 = vector.broadcast %add3A_447 : f32 to vector<16xf32>
    %add3A_449 = arith.addf %mul3A_446, %add3A_448 : vector<16xf32>
    %div3A_450 = arith.constant 2.000000e+00 : f32
    %div3A_451 = vector.broadcast %div3A_450 : f32 to vector<16xf32>
    %div3A_452 = arith.divf %div3A_451, %add3A_449 : vector<16xf32>
    %min3A_453 = arith.constant 1.000000e+00 : f32
    %min3A_454 = vector.broadcast %min3A_453 : f32 to vector<16xf32>
    %min3A_455 = arith.minimumf %min3A_454, %div3A_452 : vector<16xf32>
    %mul3A_456 = arith.mulf %scan3A_121#4, %min3A_455 : vector<16xf32>
    %add3A_457 = arith.addf %mul3A_407, %mul3A_456 : vector<16xf32>
    %ne3A_458 = arith.constant 0 : i32
    %ne3A_459 = vector.broadcast %ne3A_458 : i32 to vector<16xi32>
    %ne3A_460 = arith.cmpi ne, %get3A_130, %ne3A_459 : vector<16xi32>
    %jit3A_461 = arith.constant 0.000000e+00 : f32
    %broadcast_in_dim3A_462 = vector.broadcast %jit3A_461 : f32 to vector<16xf32>
    %select_n3A_463 = arith.select %ne3A_460, %add3A_457, %broadcast_in_dim3A_462 : vector<16xi1>, vector<16xf32>
    %add3A_464 = arith.addf %select_n3A_463, %get3A_74 : vector<16xf32>
    %swap3A_465 = arith.constant 32 : index
    %swap3A_466 = tpu.vector_load %arg10[%swap3A_465] {strides = array<i32>} : memref<64xf32, #tpu.memory_space<vmem>>, vector<16xf32>,
    tpu.vector_store %arg10[%swap3A_465], %add3A_464 {strides = array<i32>} : memref<64xf32, #tpu.memory_space<vmem>>, vector<16xf32>,
    %max3A_467 = arith.constant 9.99999996E-13 : f32
    %max3A_468 = vector.broadcast %max3A_467 : f32 to vector<16xf32>
    %max3A_469 = arith.maximumf %scan3A_149#7, %max3A_468 : vector<16xf32>
    %bitcast_convert_type3A_470 = tpu.bitcast %max3A_469 : vector<16xf32> -> vector<16xi32>
    %shift_right_logical3A_471 = arith.constant 1 : i32
    %shift_right_logical3A_472 = vector.broadcast %shift_right_logical3A_471 : i32 to vector<16xi32>
    %shift_right_logical3A_473 = arith.shrui %bitcast_convert_type3A_470, %shift_right_logical3A_472 : vector<16xi32>
    %sub3A_474 = arith.constant 1597463007 : i32
    %sub3A_475 = vector.broadcast %sub3A_474 : i32 to vector<16xi32>
    %sub3A_476 = arith.subi %sub3A_475, %shift_right_logical3A_473 : vector<16xi32>
    %bitcast_convert_type3A_477 = tpu.bitcast %sub3A_476 : vector<16xi32> -> vector<16xf32>
    %mul3A_478 = arith.constant 5.000000e-01 : f32
    %mul3A_479 = vector.broadcast %mul3A_478 : f32 to vector<16xf32>
    %mul3A_480 = arith.mulf %mul3A_479, %max3A_469 : vector<16xf32>
    %mul3A_481 = arith.mulf %mul3A_480, %bitcast_convert_type3A_477 : vector<16xf32>
    %mul3A_482 = arith.mulf %mul3A_481, %bitcast_convert_type3A_477 : vector<16xf32>
    %sub3A_483 = arith.constant 1.500000e+00 : f32
    %sub3A_484 = vector.broadcast %sub3A_483 : f32 to vector<16xf32>
    %sub3A_485 = arith.subf %sub3A_484, %mul3A_482 : vector<16xf32>
    %mul3A_486 = arith.mulf %bitcast_convert_type3A_477, %sub3A_485 : vector<16xf32>
    %mul3A_487 = arith.mulf %mul3A_480, %mul3A_486 : vector<16xf32>
    %mul3A_488 = arith.mulf %mul3A_487, %mul3A_486 : vector<16xf32>
    %sub3A_489 = arith.constant 1.500000e+00 : f32
    %sub3A_490 = vector.broadcast %sub3A_489 : f32 to vector<16xf32>
    %sub3A_491 = arith.subf %sub3A_490, %mul3A_488 : vector<16xf32>
    %mul3A_492 = arith.mulf %mul3A_486, %sub3A_491 : vector<16xf32>
    %mul3A_493 = arith.mulf %mul3A_480, %mul3A_492 : vector<16xf32>
    %mul3A_494 = arith.mulf %mul3A_493, %mul3A_492 : vector<16xf32>
    %sub3A_495 = arith.constant 1.500000e+00 : f32
    %sub3A_496 = vector.broadcast %sub3A_495 : f32 to vector<16xf32>
    %sub3A_497 = arith.subf %sub3A_496, %mul3A_494 : vector<16xf32>
    %mul3A_498 = arith.mulf %mul3A_492, %sub3A_497 : vector<16xf32>
    %mul3A_499 = arith.mulf %mul3A_480, %mul3A_498 : vector<16xf32>
    %mul3A_500 = arith.mulf %mul3A_499, %mul3A_498 : vector<16xf32>
    %sub3A_501 = arith.constant 1.500000e+00 : f32
    %sub3A_502 = vector.broadcast %sub3A_501 : f32 to vector<16xf32>
    %sub3A_503 = arith.subf %sub3A_502, %mul3A_500 : vector<16xf32>
    %mul3A_504 = arith.mulf %mul3A_498, %sub3A_503 : vector<16xf32>
    %mul3A_505 = arith.mulf %max3A_469, %mul3A_504 : vector<16xf32>
    %add3A_506 = arith.constant 1.000000e-07 : f32
    %add3A_507 = vector.broadcast %add3A_506 : f32 to vector<16xf32>
    %add3A_508 = arith.addf %mul3A_505, %add3A_507 : vector<16xf32>
    %div3A_509 = arith.constant 2.000000e+00 : f32
    %div3A_510 = vector.broadcast %div3A_509 : f32 to vector<16xf32>
    %div3A_511 = arith.divf %div3A_510, %add3A_508 : vector<16xf32>
    %min3A_512 = arith.constant 1.000000e+00 : f32
    %min3A_513 = vector.broadcast %min3A_512 : f32 to vector<16xf32>
    %min3A_514 = arith.minimumf %min3A_513, %div3A_511 : vector<16xf32>
    %mul3A_515 = arith.mulf %scan3A_149#6, %min3A_514 : vector<16xf32>
    %max3A_516 = arith.constant 9.99999996E-13 : f32
    %max3A_517 = vector.broadcast %max3A_516 : f32 to vector<16xf32>
    %max3A_518 = arith.maximumf %scan3A_121#7, %max3A_517 : vector<16xf32>
    %bitcast_convert_type3A_519 = tpu.bitcast %max3A_518 : vector<16xf32> -> vector<16xi32>
    %shift_right_logical3A_520 = arith.constant 1 : i32
    %shift_right_logical3A_521 = vector.broadcast %shift_right_logical3A_520 : i32 to vector<16xi32>
    %shift_right_logical3A_522 = arith.shrui %bitcast_convert_type3A_519, %shift_right_logical3A_521 : vector<16xi32>
    %sub3A_523 = arith.constant 1597463007 : i32
    %sub3A_524 = vector.broadcast %sub3A_523 : i32 to vector<16xi32>
    %sub3A_525 = arith.subi %sub3A_524, %shift_right_logical3A_522 : vector<16xi32>
    %bitcast_convert_type3A_526 = tpu.bitcast %sub3A_525 : vector<16xi32> -> vector<16xf32>
    %mul3A_527 = arith.constant 5.000000e-01 : f32
    %mul3A_528 = vector.broadcast %mul3A_527 : f32 to vector<16xf32>
    %mul3A_529 = arith.mulf %mul3A_528, %max3A_518 : vector<16xf32>
    %mul3A_530 = arith.mulf %mul3A_529, %bitcast_convert_type3A_526 : vector<16xf32>
    %mul3A_531 = arith.mulf %mul3A_530, %bitcast_convert_type3A_526 : vector<16xf32>
    %sub3A_532 = arith.constant 1.500000e+00 : f32
    %sub3A_533 = vector.broadcast %sub3A_532 : f32 to vector<16xf32>
    %sub3A_534 = arith.subf %sub3A_533, %mul3A_531 : vector<16xf32>
    %mul3A_535 = arith.mulf %bitcast_convert_type3A_526, %sub3A_534 : vector<16xf32>
    %mul3A_536 = arith.mulf %mul3A_529, %mul3A_535 : vector<16xf32>
    %mul3A_537 = arith.mulf %mul3A_536, %mul3A_535 : vector<16xf32>
    %sub3A_538 = arith.constant 1.500000e+00 : f32
    %sub3A_539 = vector.broadcast %sub3A_538 : f32 to vector<16xf32>
    %sub3A_540 = arith.subf %sub3A_539, %mul3A_537 : vector<16xf32>
    %mul3A_541 = arith.mulf %mul3A_535, %sub3A_540 : vector<16xf32>
    %mul3A_542 = arith.mulf %mul3A_529, %mul3A_541 : vector<16xf32>
    %mul3A_543 = arith.mulf %mul3A_542, %mul3A_541 : vector<16xf32>
    %sub3A_544 = arith.constant 1.500000e+00 : f32
    %sub3A_545 = vector.broadcast %sub3A_544 : f32 to vector<16xf32>
    %sub3A_546 = arith.subf %sub3A_545, %mul3A_543 : vector<16xf32>
    %mul3A_547 = arith.mulf %mul3A_541, %sub3A_546 : vector<16xf32>
    %mul3A_548 = arith.mulf %mul3A_529, %mul3A_547 : vector<16xf32>
    %mul3A_549 = arith.mulf %mul3A_548, %mul3A_547 : vector<16xf32>
    %sub3A_550 = arith.constant 1.500000e+00 : f32
    %sub3A_551 = vector.broadcast %sub3A_550 : f32 to vector<16xf32>
    %sub3A_552 = arith.subf %sub3A_551, %mul3A_549 : vector<16xf32>
    %mul3A_553 = arith.mulf %mul3A_547, %sub3A_552 : vector<16xf32>
    %mul3A_554 = arith.mulf %max3A_518, %mul3A_553 : vector<16xf32>
    %add3A_555 = arith.constant 1.000000e-07 : f32
    %add3A_556 = vector.broadcast %add3A_555 : f32 to vector<16xf32>
    %add3A_557 = arith.addf %mul3A_554, %add3A_556 : vector<16xf32>
    %div3A_558 = arith.constant 2.000000e+00 : f32
    %div3A_559 = vector.broadcast %div3A_558 : f32 to vector<16xf32>
    %div3A_560 = arith.divf %div3A_559, %add3A_557 : vector<16xf32>
    %min3A_561 = arith.constant 1.000000e+00 : f32
    %min3A_562 = vector.broadcast %min3A_561 : f32 to vector<16xf32>
    %min3A_563 = arith.minimumf %min3A_562, %div3A_560 : vector<16xf32>
    %mul3A_564 = arith.mulf %scan3A_121#6, %min3A_563 : vector<16xf32>
    %add3A_565 = arith.addf %mul3A_515, %mul3A_564 : vector<16xf32>
    %ne3A_566 = arith.constant 0 : i32
    %ne3A_567 = vector.broadcast %ne3A_566 : i32 to vector<16xi32>
    %ne3A_568 = arith.cmpi ne, %get3A_132, %ne3A_567 : vector<16xi32>
    %jit3A_569 = arith.constant 0.000000e+00 : f32
    %broadcast_in_dim3A_570 = vector.broadcast %jit3A_569 : f32 to vector<16xf32>
    %select_n3A_571 = arith.select %ne3A_568, %add3A_565, %broadcast_in_dim3A_570 : vector<16xi1>, vector<16xf32>
    %add3A_572 = arith.addf %select_n3A_571, %get3A_74 : vector<16xf32>
    %swap3A_573 = arith.constant 48 : index
    %swap3A_574 = tpu.vector_load %arg10[%swap3A_573] {strides = array<i32>} : memref<64xf32, #tpu.memory_space<vmem>>, vector<16xf32>,
    tpu.vector_store %arg10[%swap3A_573], %add3A_572 {strides = array<i32>} : memref<64xf32, #tpu.memory_space<vmem>>, vector<16xf32>,
    "tpu.region"() ({
      %run_scoped3A = tpu.sem_alloc : memref<!tpu.dma_semaphore, #tpu.memory_space<semaphore_mem>>
      %dma_start3A_575 = tpu.memref_slice %arg5[%mul3A_0] : memref<1024xf32, #tpu.memory_space<hbm>> -> memref<64xf32, #tpu.memory_space<hbm>>
      %dma_start3A_576 = tpu.memref_slice %arg5[%mul3A_0] : memref<1024xf32, #tpu.memory_space<hbm>> -> memref<64xf32, #tpu.memory_space<hbm>>
      tpu.enqueue_dma source(%arg10 : memref<64xf32, #tpu.memory_space<vmem>>) target(%dma_start3A_576 : memref<64xf32, #tpu.memory_space<hbm>>) target_semaphore(%run_scoped3A : memref<!tpu.dma_semaphore, #tpu.memory_space<semaphore_mem>>)
      %dma_wait3A_577 = tpu.memref_slice %arg5[%mul3A_0] : memref<1024xf32, #tpu.memory_space<hbm>> -> memref<64xf32, #tpu.memory_space<hbm>>
      %dma_wait3A_578 = tpu.memref_slice %arg5[%mul3A_0] : memref<1024xf32, #tpu.memory_space<hbm>> -> memref<64xf32, #tpu.memory_space<hbm>>
      tpu.wait_dma2 semaphore(%run_scoped3A : memref<!tpu.dma_semaphore, #tpu.memory_space<semaphore_mem>>) src(%arg10 : memref<64xf32, #tpu.memory_space<vmem>>) dst(%dma_wait3A_578 : memref<64xf32, #tpu.memory_space<hbm>>)
      tpu.yield
    }) : () -> ()
    return
  }
}

</mosaic_0001>

<sc_bundles>
// kernel: kernel.3.cloned.1.call-start
scs
__scs_entry_jumppad:
0x0: {  	(pc) =	sbr.rel $0x88, $3  }
0x1: {  	(tag) =	ssettag $0x0;
	lr =	simm.s32 $0x1  }
0x2: {  	[smem:$0x3F9A] =	sst lr;
	_ =	strace $0xD0000000  }
0x3: {  	_ = 	snop  }
0x4: {  	_ = 	snop  }
0x5: {  	_ = 	snop  }
0x6: {  	_ = 	snop  }
0x7: {  	_ = 	snop  }
__scs_overlays_trampoline_lowered:
0x8: {  	[smem:$0x3FA9] =	sst s0  }
0x9: {  	[smem:$0x3FAA] =	sst s1  }
0xa: {  	[smem:$0x3FAB] =	sst s2  }
0xb: {  	[smem:$0x3FAC] =	sst s3  }
0xc: {  	[smem:$0x3FAD] =	sst s4  }
0xd: {  	[smem:$0x3FAE] =	sst s5  }
0xe: {  	[smem:$0x3FAF] =	sst s6  }
0xf: {  	[smem:$0x3FB0] =	sst s7  }
0x10: {  	[smem:$0x3FB1] =	sst s8  }
0x11: {  	[smem:$0x3FB2] =	sst s9;
	s0 =	simm.s32 @!p0 $0x0  }
0x12: {  	s1 =	sld [smem:$0x3F98];
	s0 =	simm.s32 @p0 $0x1  }
0x13: {  	[smem:$0x3FB3] =	sst s0;
	s0 =	simm.s32 @!p1 $0x0  }
0x14: {  	s2 =	sld [smem:$0x3F97];
	s0 =	simm.s32 @p1 $0x1  }
0x15: {  	[smem:$0x3FB4] =	sst s0;
	s0 =	simm.s32 @!p2 $0x0  }
0x16: {  	s3 =	sld [smem:$0x3FDB];
	s0 =	simm.s32 @p2 $0x1  }
0x17: {  	s4 =	simm.s32 $0x1BF5;
	[smem:$0x3FB6] =	sst s0  }
0x18: {  	s0 =	sld [smem:$0x3F99];
	_ =	swait.ge [sflag:s4], $0x0  }
0x19: {  	s7 =	sld [smem:$0x3F9A]  }
0x1a: {  	s8 =	sadd.s32 $0xFFFFE003, lr  }
0x1b: {  	s9 =	sadd.s32 $0xFFFFFEF7, lr;
	s5 =	simm.s32 $0xFFFFFFFF;
	p2 =	slt.u32 s8, $0xFFFFF086  }
0x1c: {  	p1 =	slt.u32 s9, $0xF7A;
	s5 =	simm.s32 @!p2 $0x0  }
0x1d: {  	s5 =	simm.s32 @p1 $0x1;
	p0 =	seq.s32 s7, s2  }
0x1e: {  	s7 =	smul.u32 @!p0 $0xF7A, s2;
	p2 =	seq.s32 @!p0 s5, $0x0  }
0x1f: {  	s9 =	smul.u32 $0xF7A, s1;
	s8 =	simm.s32 @!p0 $0x1BF5;
	p2 =	por !p2, p0  }
0x20: {  	[sflag:s8] =	ssyncset.s32 @!p0 $0xFFFFF086;
	s6 =	sadd.s32 @!p0 s3, s7;
	s7 =	simm.s32 @!p0 $0x108  }
0x21: {  	s3 =	sadd.s32 s3, s9;
	s6 =	sadd.s32 @!p0 $0x88, s6;
	s7 =	simm.s32 @p2 $0x1082  }
0x22: {  	[simem:s7], [sflag:s8] =	dma.local @!p0 [hbm:s6], $0xF7A  }
0x23: {  	s9 =	sor.u32 $0xD0000000, s2;
	s6 =	simm.s32 $0x108;
	_ =	swait.ge @!p0 [sflag:s8], $0x0  }
0x24: {  	s3 =	sadd.s32 $0x88, s3;
	s6 =	simm.s32 @!p1 $0x1082;
	[sflag:s4] =	ssyncset.s32 $0xFFFFF086  }
0x25: {  	[simem:s6], [sflag:s4] =	dma.local [hbm:s3], $0xF7A  }
0x26: {  	[smem:$0x3F9A] =	sst s1;
	(tag) =	ssettag s2;
	_ =	strace s9  }
0x27: {  	s1 =	sld [smem:$0x3FAA]  }
0x28: {  	s2 =	sld [smem:$0x3FAB]  }
0x29: {  	s4 =	sld [smem:$0x3FAD]  }
0x2a: {  	p0 =	seq.s32 s5, $0x0;
	s5 =	sld [smem:$0x3FAE]  }
0x2b: {  	s6 =	sld [smem:$0x3FAF]  }
0x2c: {  	s7 =	sld [smem:$0x3FB0]  }
0x2d: {  	s3 =	simm.s32 $0x108;
	s8 =	sld [smem:$0x3FB1]  }
0x2e: {  	s3 =	simm.s32 @!p0 $0x1082;
	s9 =	sld [smem:$0x3FB2]  }
0x2f: {  	lr =	sadd.s32 s0, s3;
	s0 =	sld [smem:$0x3FA9]  }
0x30: {  	s3 =	sld [smem:$0x3FAC]  }
0x31: {  	[smem:$0x3FB5] =	sst s10  }
0x32: {  	s10 =	sld [smem:$0x3FB3];
	_ =	sdelay $0x3  }
0x33: {  	p0 =	seq.s32 s10, $0x1;
	s10 =	sld [smem:$0x3FB5];
	_ =	sdelay $0x3  }
0x34: {  	[smem:$0x3FB5] =	sst s10  }
0x35: {  	s10 =	sld [smem:$0x3FB4];
	_ =	sdelay $0x3  }
0x36: {  	p1 =	seq.s32 s10, $0x1;
	s10 =	sld [smem:$0x3FB5];
	_ =	sdelay $0x3  }
0x37: {  	[smem:$0x3FB5] =	sst s10  }
0x38: {  	s10 =	sld [smem:$0x3FB6]  }
0x39: {  	_ = 	snop;
	(pc) =	sbr.ind lr, $3  }
0x3a: {  	_ = 	snop  }
0x3b: {  	_ = 	snop  }
0x3c: {  	p2 =	seq.s32 s10, $0x1;
	s10 =	sld [smem:$0x3FB5]  }
0x3d: {  	_ =	shalt  }
0x3e: {  	_ =	shalt  }
0x3f: {  	_ =	shalt  }
0x40: {  	_ =	shalt  }
0x41: {  	_ =	shalt  }
0x42: {  	_ =	shalt  }
0x43: {  	_ =	shalt  }
0x44: {  	_ =	shalt  }
0x45: {  	_ =	shalt  }
0x46: {  	_ =	shalt  }
0x47: {  	_ =	shalt  }
0x48: {  	_ =	shalt  }
0x49: {  	_ =	shalt  }
0x4a: {  	_ =	shalt  }
0x4b: {  	_ =	shalt  }
0x4c: {  	_ =	shalt  }
0x4d: {  	_ =	shalt  }
0x4e: {  	_ =	shalt  }
0x4f: {  	_ =	shalt  }
0x50: {  	_ =	shalt  }
0x51: {  	_ =	shalt  }
0x52: {  	_ =	shalt  }
0x53: {  	_ =	shalt  }
0x54: {  	_ =	shalt  }
0x55: {  	_ =	shalt  }
0x56: {  	_ =	shalt  }
0x57: {  	_ =	shalt  }
0x58: {  	_ =	shalt  }
0x59: {  	_ =	shalt  }
0x5a: {  	_ =	shalt  }
0x5b: {  	_ =	shalt  }
0x5c: {  	_ =	shalt  }
0x5d: {  	_ =	shalt  }
0x5e: {  	_ =	shalt  }
0x5f: {  	_ =	shalt  }
0x60: {  	_ =	shalt  }
0x61: {  	_ =	shalt  }
0x62: {  	_ =	shalt  }
0x63: {  	_ =	shalt  }
0x64: {  	_ =	shalt  }
0x65: {  	_ =	shalt  }
0x66: {  	_ =	shalt  }
0x67: {  	_ =	shalt  }
0x68: {  	_ =	shalt  }
0x69: {  	_ =	shalt  }
0x6a: {  	_ =	shalt  }
0x6b: {  	_ =	shalt  }
0x6c: {  	_ =	shalt  }
0x6d: {  	_ =	shalt  }
0x6e: {  	_ =	shalt  }
0x6f: {  	_ =	shalt  }
0x70: {  	_ =	shalt  }
0x71: {  	_ =	shalt  }
0x72: {  	_ =	shalt  }
0x73: {  	_ =	shalt  }
0x74: {  	_ =	shalt  }
0x75: {  	_ =	shalt  }
0x76: {  	_ =	shalt  }
0x77: {  	_ =	shalt  }
0x78: {  	_ =	shalt  }
0x79: {  	_ =	shalt  }
0x7a: {  	_ =	shalt  }
0x7b: {  	_ =	shalt  }
0x7c: {  	_ =	shalt  }
0x7d: {  	_ =	shalt  }
0x7e: {  	_ =	shalt  }
0x7f: {  	_ =	shalt  }
0x80: {  	_ =	shalt  }
0x81: {  	_ =	shalt  }
0x82: {  	_ =	shalt  }
0x83: {  	_ =	shalt  }
0x84: {  	_ =	shalt  }
0x85: {  	_ =	shalt  }
0x86: {  	_ =	shalt  }
0x87: {  	_ =	shalt  }
.Lfunc_end0:
.L_simem_size_0:
called_computation_lowered:
.L_overlay_start_0:
0x88: {  	s0 =	sld [smem:$0x3FD9]  }
0x89: {  	s1 =	sld [smem:$0x3FFE];
	_ =	sdelay $0x3  }
0x8a: {  	s0 =	sadd.s32 s1, s0  }
0x8b: {  	[smem:$0x3FC1] =	sst s0  }
0x8c: {  	_ = 	snop  }
0x8d: {  	s0 =	sld [smem:$0x3FD0];
	(tm) =	ssettm $0x1  }
0x8e: {  	s16 =	sld [smem:$0x3FFB];
	_ =	sdelay $0x3  }
0x8f: {  	_ =	strace s16  }
0x90: {  	s1 =	sld [smem:$0x3FFC];
	_ =	sdelay $0x3  }
0x91: {  	_ =	strace s1  }
0x92: {  	s1 =	sld [smem:$0x3FFD];
	_ =	sdelay $0x3  }
0x93: {  	_ =	strace s1  }
0x94: {  	_ =	strace $0x8FFFFFFF  }
0x95: {  	s17 =	sld [smem:$0x3FDB];
	_ =	sdelay $0x1  }
0x96: {  	s2 =	simm.s32 $_scs_section_size  }
0x97: {  	s3 =	simm.s32 $_size__tile_overlayer_lowered;
	s4 =	simm.s32 $_tile_overlayer_lowered  }
0x98: {  	s20 =	simm.s32 $0x1BFF;
	s19 =	sshll.u32 s4, $0x1;
	s1 =	sadd.s32 s2, s17  }
0x99: {  	s5 =	simm.s32 $0x0;
	s18 =	sshll.u32 s3, $0x1;
	s3 =	sadd.s32 s19, s1  }
0x9a: {  	[timem:s5], [sflag:s20] =	dma.local [hbm:s3], s18  }
0x9b: {  	_ =	swait.ge [sflag:s20], s18  }
0x9c: {  	s2 =	ssub.s32 $0x0, s18;
	[sflag:s20] =	ssyncset.done $0x0  }
0x9d: {  	[sflag:s20] =	ssyncadd.s32 s2;
	_ =	sdelay $0x1  }
0x9e: {  	s21 =	simm.s32 $0x1B8B  }
0x9f: {  	_ =	swait.ge [sflag:s21], $0x1  }
0xa0: {  	[sflag:s21] =	ssyncset.done $0x0  }
0xa1: {  	s23 =	simm.s32 $0x1B8E;
	s22 =	sld [smem:$0x3FFE];
	[sflag:s21] =	ssyncadd.s32 $0xFFFFFFFF  }
0xa2: {  	s24 =	simm.s32 $execute0_lowered;
	[smem:$0x3FD2] =	sst s23  }
0xa3: {  	s3 =	sshll.u32 s24, $0x1;
	_ =	strace $0x80000046;
	[dreg:$0x1] =	wrdreg $0xFFFFFFFF  }
0xa4: {  	s25 =	simm.s32 $_size_execute0_lowered;
	s1 =	sadd.s32 s1, s3;
	[dreg:$0x0] =	wrdreg $0x0  }
0xa5: {  	s3 =	sshll.u32 s25, $0x1;
	[dreg:$0x2] =	wrdreg s1  }
0xa6: {  	[dreg:$0x3] =	wrdreg s3  }
0xa7: {  	[dreg:$0x4] =	wrdreg $0xC0  }
0xa8: {  	_ =	task [dreg:s5], $0x5FFFF  }
0xa9: {  	[dreg:$0x1] =	wrdreg $0xFFFFFFFF  }
0xaa: {  	[dreg:$0x0] =	wrdreg $0x60  }
0xab: {  	[dreg:$0x2] =	wrdreg s22  }
0xac: {  	[dreg:$0x3] =	wrdreg s0  }
0xad: {  	[dreg:$0x4] =	wrdreg $0x9  }
0xae: {  	_ =	task.clear_ibuf [dreg:s5], $0x5FFFF;
	_ =	strace $0x90000046  }
0xaf: {  	s26 =	simm.s32 $0x9;
	_ =	strace $0x80000048  }
0xb0: {  	_ =	swait.ge [sflag:s26], $0x1  }
0xb1: {  	[sflag:s26] =	ssyncadd.s32 $0xFFFFFFFF  }
0xb2: {  	_ =	strace $0x90000048  }
0xb3: {  	_ =	sfence  }
0xb4: {  	s28 =	sld [smem:$0x0];
	_ =	sdelay $0x1  }
0xb5: {  	s29 =	srdreg.scid  }
0xb6: {  	s30 =	sshll.u32 s29, $0xD;
	s31 =	sshrl.u32 s29, $0x2  }
0xb7: {  	s2 =	sand.u32 $0x4000, s30;
	s1 =	sand.u32 $0x1, s29;
	s0 =	sadd.s32 s31, s28  }
0xb8: {  	s1 =	sor.u32 s2, s1;
	s0 =	sshll.u32 s0, $0x11  }
0xb9: {  	s0 =	sor.u32 s0, s1  }
0xba: {  	s0 =	sadd.s32 $0x8F2B, s0  }
0xbb: {  	[sflag:s0] =	ssyncadd.remote.s32 $0x1  }
0xbc: {  	_ =	sfence.sel $0xFFFF  }
0xbd: {  	[dreg:$0x0] =	wrdreg $0xFFFFFFFF;
	(pc) =	sbr.abs _section_cstart, $3  }
0xbe: {  	[dreg:$0x1] =	wrdreg $0xFFFFFFFF  }
0xbf: {  	_ =	task.clear_ibuf [dreg:s5], $0x2FFFF;
	_ =	strace $0x9FFFFFFF  }
0xc0: {  	(tm) =	ssettm $0x7FFFFFFF  }
0xc1: {  	_ =	shalt  }
tec
execute0_lowered:
.L_overlay_start_1:
0x0: {  	(tag) =	ssettag $0x1  }
0x1: {  	s5 =	rddreg [dreg:$0x0];
	s1 =	stileid.u32  }
0x2: {  	s2 =	rddreg [dreg:$0x1];
	s4 =	simm.s32 $0x0;
	s3 =	sshll.u32 s1, $0x4  }
0x3: {  	[smem:$0x7FF] =	sst s4;
	s3 =	sadd.s32 s3, s5  }
0x4: {  	s0 =	rddreg [dreg:$0x2];
	v0 =	vlaneseq.u32;
	_ =	strace $0x80000047;
	s3 =	sadd.s32 $0x600, s3  }
0x5: {  	v1 =	vmul.u32 $0x2, v0;
	[tilespmem:s4], [sflag:$0x1] =	stream.linear.gather [hbm4b:s3+s4], $0x80, $0x38;
	[tilespmem:$0x1F00] =	vst v63  }
0x6: {  	s7 =	simm.s32 $0x1;
	s6 =	sadd.s32 $0x10800, s5;
	s3 =	simm.s32 $0x180  }
0x7: {  	[tilespmem:s3], [sflag:$0x2] =	stream.linear.gather [hbm4b:s6+s4], $0x1D00, $0x38;
	[tilespmem:$0x1F00] =	vst v63  }
0x8: {  	_ =	swait.ge [sflag:s7], $0x80  }
0x9: {  	[sflag:s7] =	ssyncset.done $0x0  }
0xa: {  	[sflag:s7] =	ssyncadd.s32 $0xFFFFFF80  }
0xb: {  	v2 =	vld.idx.msk [tilespmem:v1+s4+$0x0], $0xffff  }
0xc: {  	s8 =	sshll.u32 s1, $0x6  }
0xd: {  	v0 =	vmul.u32 $0x200, v0;
	v3 =	vmov s8  }
0xe: {  	v3 =	vshll.u32 v3, $0x9;
	v4 =	vor.u32 $0x20, v1  }
0xf: {  	v3 =	vor.u32 v0, v3  }
0x10: {  	v2 =	vadd.s32 v2, v3  }
0x11: {  	v2 =	vadd.s32 $0xFFFFFFFF, v2  }
0x12: {  	[tilespmem:$0x80] =	vst v2  }
0x13: {  	v2 =	vld.idx.msk [tilespmem:v4+s4+$0x0], $0xffff  }
0x14: {  	s7 =	sor.u32 $0x10, s8  }
0x15: {  	v3 =	vmov s7  }
0x16: {  	v3 =	vshll.u32 v3, $0x9;
	v4 =	vor.u32 $0x40, v1  }
0x17: {  	v3 =	vor.u32 v0, v3  }
0x18: {  	v2 =	vadd.s32 v2, v3  }
0x19: {  	v2 =	vadd.s32 $0xFFFFFFFF, v2  }
0x1a: {  	[tilespmem:$0x90] =	vst v2  }
0x1b: {  	v2 =	vld.idx.msk [tilespmem:v4+s4+$0x0], $0xffff  }
0x1c: {  	s9 =	sor.u32 $0x20, s8  }
0x1d: {  	v3 =	vmov s9  }
0x1e: {  	v3 =	vshll.u32 v3, $0x9;
	v4 =	vor.u32 $0x60, v1  }
0x1f: {  	v3 =	vor.u32 v0, v3  }
0x20: {  	v2 =	vadd.s32 v2, v3  }
0x21: {  	v2 =	vadd.s32 $0xFFFFFFFF, v2  }
0x22: {  	[tilespmem:$0xA0] =	vst v2  }
0x23: {  	v2 =	vld.idx.msk [tilespmem:v4+s4+$0x0], $0xffff  }
0x24: {  	s6 =	sor.u32 $0x30, s8  }
0x25: {  	v3 =	vmov s6  }
0x26: {  	v3 =	vshll.u32 v3, $0x9  }
0x27: {  	v0 =	vor.u32 v0, v3  }
0x28: {  	v0 =	vadd.s32 v2, v0  }
0x29: {  	s10 =	simm.s32 $0x40;
	s11 =	simm.s32 $0x80;
	v0 =	vadd.s32 $0xFFFFFFFF, v0  }
0x2a: {  	s12 =	simm.s32 $0x2;
	s5 =	sadd.s32 $0x800, s5;
	s8 =	simm.s32 $0x100;
	[tilespmem:$0xB0] =	vst v0;
	v0 =	vor.u32 $0x1, v1  }
0x2b: {  	[tilespmem:s8], [sflag:$0x3] =	stream.indirect.gather [hbm4b:s5+s10], $0x1, s11, s10, $0xb8;
	[tilespmem:$0x1F00] =	vst v63  }
0x2c: {  	_ =	swait.ge [sflag:s12], $0x1D00  }
0x2d: {  	v2 =	vor.u32 $0x21, v1;
	[sflag:s12] =	ssyncset.done $0x0  }
0x2e: {  	s9 =	simm.s32 $0x1C80;
	v3 =	vor.u32 $0x41, v1;
	[sflag:s12] =	ssyncadd.s32 $0xFFFFE300  }
0x2f: {  	s19 =	simm.s32 $0x1C81;
	v21 =	vmov s9;
	v1 =	vor.u32 $0x61, v1;
	v0 =	vld.idx.msk [tilespmem:v0+s4+$0x0], $0xffff  }
0x30: {  	s21 =	simm.s32 $0x1C83;
	v24 =	vmov s19;
	v21 =	vand.u32 $0xFFFFFFF8, v21  }
0x31: {  	s22 =	simm.s32 $0x1C84;
	v27 =	vmov s21;
	v24 =	vand.u32 $0xFFFFFFF9, v24;
	v21 =	vbroadcast v21, $0x0  }
0x32: {  	v28 =	vmov s22;
	v27 =	vand.u32 $0xFFFFFFFB, v27;
	v24 =	vbroadcast v24, $0x0;
	v2 =	vld.idx.msk [tilespmem:v2+s4+$0x0], $0xffff  }
0x33: {  	v28 =	vand.u32 $0xFFFFFFFC, v28;
	v27 =	vbroadcast v27, $0x0;
	v3 =	vld.idx.msk [tilespmem:v3+s4+$0x0], $0xffff  }
0x34: {  	v28 =	vbroadcast v28, $0x0;
	v5 =	vld.idx.msk [tilespmem:v1+s4+$0x0], $0xffff;
	v0 =	vshll.u32 v0, $0x5  }
0x35: {  	s14 =	simm.s32 $0x0;
	v4 =	vadd.s32 $0x1860, v0  }
0x36: {  	s15 =	simm.s32 $0x1;
	v6 =	vor.u32 s14, v4  }
0x37: {  	s16 =	simm.s32 $0x2;
	v21 =	vld.idx.msk [tilespmem:v21+s3+$0x0], $0xffff;
	v9 =	vor.u32 s15, v4  }
0x38: {  	s17 =	simm.s32 $0x3;
	v24 =	vld.idx.msk [tilespmem:v24+s3+$0x0], $0xffff;
	v1 =	vshll.u32 v3, $0x5;
	v0 =	vshll.u32 v2, $0x5;
	v12 =	vor.u32 s16, v4  }
0x39: {  	s13 =	simm.s32 $0x1C87;
	v27 =	vld.idx.msk [tilespmem:v27+s3+$0x0], $0xffff;
	v3 =	vadd.s32 $0x1860, v0;
	v0 =	vshll.u32 v5, $0x5;
	v15 =	vor.u32 s17, v4  }
0x3a: {  	s18 =	simm.s32 $0x4;
	v28 =	vld.idx.msk [tilespmem:v28+s3+$0x0], $0xffff;
	v5 =	vadd.s32 $0x1860, v0;
	v0 =	vmov s13  }
0x3b: {  	s12 =	simm.s32 $0x7;
	v19 =	vor.u32 s18, v3;
	v6 =	vld.idx.msk [tilespmem:v6+s3+$0x0], $0xffff  }
0x3c: {  	s20 =	simm.s32 $0x1C82;
	s23 =	simm.s32 $0x1C85;
	v36 =	vor.u32 s12, v3;
	v9 =	vld.idx.msk [tilespmem:v9+s3+$0x0], $0xffff  }
0x3d: {  	s24 =	simm.s32 $0x1C86;
	v26 =	vmov s20;
	v29 =	vmov s23;
	v8 =	vor.u32 s14, v5;
	v58 =	vld.idx.msk [tilespmem:v12+s3+$0x0], $0xffff  }
0x3e: {  	v30 =	vmov s24;
	v26 =	vand.u32 $0xFFFFFFFA, v26;
	v11 =	vor.u32 s15, v5;
	v15 =	vld.idx.msk [tilespmem:v15+s3+$0x0], $0xffff  }
0x3f: {  	v29 =	vand.u32 $0xFFFFFFFD, v29;
	v30 =	vand.u32 $0xFFFFFFFE, v30;
	v14 =	vor.u32 s16, v5;
	v0 =	vld.idx.msk [tilespmem:v0+s3+$0x0], $0xffff  }
0x40: {  	v26 =	vbroadcast v26, $0x0;
	v29 =	vbroadcast v29, $0x0;
	v17 =	vor.u32 s17, v5;
	v19 =	vld.idx.msk [tilespmem:v19+s3+$0x0], $0xffff  }
0x41: {  	v30 =	vbroadcast v30, $0x0;
	s10 =	simm.s32 $0x5;
	v1 =	vadd.s32 $0x1860, v1;
	v20 =	vor.u32 s18, v5;
	v36 =	vld.idx.msk [tilespmem:v36+s3+$0x0], $0xffff  }
0x42: {  	s11 =	simm.s32 $0x6;
	v2 =	vimm.f32 $0.0e+00;
	v18 =	vor.u32 s18, v4;
	v22 =	vor.u32 s10, v5;
	v8 =	vld.idx.msk [tilespmem:v8+s3+$0x0], $0xffff  }
0x43: {  	v31 =	vor.u32 s10, v4;
	v32 =	vor.u32 s11, v4;
	v23 =	vor.u32 s11, v5;
	v11 =	vld.idx.msk [tilespmem:v11+s3+$0x0], $0xffff  }
0x44: {  	v33 =	vor.u32 s12, v4;
	v37 =	vor.u32 s14, v1;
	v25 =	vor.u32 s12, v5;
	v14 =	vld.idx.msk [tilespmem:v14+s3+$0x0], $0xffff  }
0x45: {  	v38 =	vor.u32 s15, v1;
	v39 =	vor.u32 s16, v1;
	v17 =	vld.idx.msk [tilespmem:v17+s3+$0x0], $0xffff;
	v59 =	vmul.f32 v6, v21  }
0x46: {  	v40 =	vor.u32 s17, v1;
	v20 =	vld.idx.msk [tilespmem:v20+s3+$0x0], $0xffff;
	v60 =	vmul.f32 v9, v24;
	v61 =	vmul.f32 v6, v6  }
0x47: {  	v41 =	vor.u32 s18, v1;
	v22 =	vld.idx.msk [tilespmem:v22+s3+$0x0], $0xffff;
	v6 =	vmul.f32 v15, v27;
	v9 =	vmul.f32 v9, v9  }
0x48: {  	v43 =	vor.u32 s10, v1;
	v23 =	vld.idx.msk [tilespmem:v23+s3+$0x0], $0xffff;
	v62 =	vmul.f32 v58, v58;
	v15 =	vmul.f32 v15, v15  }
0x49: {  	v46 =	vor.u32 s11, v1;
	v25 =	vld.idx.msk [tilespmem:v25+s3+$0x0], $0xffff;
	v52 =	vmul.f32 v19, v28;
	v55 =	vmul.f32 v36, v0  }
0x4a: {  	v49 =	vor.u32 s12, v1;
	v19 =	vmul.f32 v19, v19;
	v36 =	vmul.f32 v36, v36  }
0x4b: {  	v26 =	vld.idx.msk [tilespmem:v26+s3+$0x0], $0xffff;
	v7 =	vor.u32 s14, v3;
	v42 =	vmul.f32 v8, v8;
	v44 =	vmul.f32 v11, v11  }
0x4c: {  	v10 =	vor.u32 s15, v3;
	v45 =	vmul.f32 v14, v14;
	v47 =	vmul.f32 v17, v17  }
0x4d: {  	v29 =	vld.idx.msk [tilespmem:v29+s3+$0x0], $0xffff;
	v13 =	vor.u32 s16, v3;
	v48 =	vmul.f32 v20, v20;
	v50 =	vmul.f32 v22, v22  }
0x4e: {  	v30 =	vld.idx.msk [tilespmem:v30+s3+$0x0], $0xffff;
	v16 =	vor.u32 s17, v3;
	v51 =	vmul.f32 v23, v23;
	v56 =	vmul.f32 v25, v25  }
0x4f: {  	v34 =	vor.u32 s10, v3;
	v8 =	vmul.f32 v8, v21;
	v25 =	vmul.f32 v25, v0  }
0x50: {  	s31 =	simm.s32 $0x1C8D;
	v35 =	vor.u32 s11, v3;
	v53 =	vld.idx.msk [tilespmem:v39+s3+$0x0], $0xffff;
	v11 =	vmul.f32 v11, v24;
	v12 =	vmul.f32 v14, v26  }
0x51: {  	v39 =	vmov s31;
	v10 =	vld.idx.msk [tilespmem:v10+s3+$0x0], $0xffff;
	v17 =	vmul.f32 v17, v27;
	v20 =	vmul.f32 v20, v28  }
0x52: {  	v13 =	vld.idx.msk [tilespmem:v13+s3+$0x0], $0xffff;
	v22 =	vmul.f32 v22, v29;
	v9 =	vadd.f32 v9, v61;
	v15 =	vadd.f32 v15, v62  }
0x53: {  	s29 =	simm.s32 $0x1C8A;
	v23 =	vmul.f32 v23, v30;
	v42 =	vadd.f32 v44, v42;
	v45 =	vadd.f32 v47, v45  }
0x54: {  	s13 =	simm.s32 $0x1C8B;
	v18 =	vld.idx.msk [tilespmem:v18+s3+$0x0], $0xffff;
	v61 =	vmov s29;
	v57 =	vadd.f32 v50, v48;
	v14 =	vadd.f32 v56, v51  }
0x55: {  	v31 =	vld.idx.msk [tilespmem:v31+s3+$0x0], $0xffff;
	v62 =	vmov s13;
	v8 =	vadd.f32 v11, v8;
	v11 =	vadd.f32 v17, v12  }
0x56: {  	v37 =	vld.idx.msk [tilespmem:v37+s3+$0x0], $0xffff;
	v20 =	vadd.f32 v22, v20;
	v22 =	vadd.f32 v25, v23;
	v25 =	vmul.f32 v58, v26  }
0x57: {  	v17 =	vld.idx.msk [tilespmem:v32+s3+$0x0], $0xffff;
	v47 =	vmul.f32 v10, v24;
	v48 =	vmul.f32 v13, v26;
	v9 =	vadd.f32 v15, v9  }
0x58: {  	v23 =	vld.idx.msk [tilespmem:v33+s3+$0x0], $0xffff;
	v10 =	vmul.f32 v10, v10;
	v42 =	vadd.f32 v45, v42;
	v14 =	vadd.f32 v14, v57  }
0x59: {  	v51 =	vld.idx.msk [tilespmem:v38+s3+$0x0], $0xffff;
	v13 =	vmul.f32 v13, v13;
	v8 =	vadd.f32 v11, v8;
	v11 =	vadd.f32 v22, v20  }
0x5a: {  	s28 =	simm.s32 $0x1C89;
	s11 =	simm.s32 $0xD;
	v56 =	vld.idx.msk [tilespmem:v43+s3+$0x0], $0xffff;
	v20 =	vadd.f32 v60, v59;
	v22 =	vmul.f32 v31, v29;
	v25 =	vadd.f32 v6, v25  }
0x5b: {  	v45 =	vld.idx.msk [tilespmem:v35+s3+$0x0], $0xffff;
	v59 =	vor.u32 s11, v5;
	v60 =	vmov s28;
	v35 =	vand.u32 $0xFFFFFFFB, v62  }
0x5c: {  	v7 =	vld.idx.msk [tilespmem:v7+s3+$0x0], $0xffff;
	v35 =	vbroadcast v35, $0x0;
	v12 =	vadd.f32 v14, v42;
	v14 =	vmul.f32 v18, v28  }
0x5d: {  	v8 =	vadd.f32 v11, v8;
	v11 =	vld.idx.msk [tilespmem:v16+s3+$0x0], $0xffff;
	v18 =	vmul.f32 v18, v18;
	v16 =	vmul.f32 v17, v30  }
0x5e: {  	s9 =	simm.s32 $0xC;
	v57 =	vld.idx.msk [tilespmem:v49+s3+$0x0], $0xffff;
	v20 =	vadd.f32 v25, v20;
	v63 =	vmul.f32 v23, v0;
	v17 =	vmul.f32 v17, v17  }
0x5f: {  	v25 =	vor.u32 s9, v4;
	v23 =	vmul.f32 v23, v23;
	v24 =	vmul.f32 v51, v24  }
0x60: {  	v40 =	vld.idx.msk [tilespmem:v40+s3+$0x0], $0xffff;
	v58 =	vmul.f32 v56, v56;
	v14 =	vadd.f32 v22, v14;
	v22 =	vmul.f32 v31, v31  }
0x61: {  	v6 =	vadd.f32 v8, v2;
	v31 =	vmul.f32 v7, v21;
	v7 =	vmul.f32 v7, v7  }
0x62: {  	s30 =	simm.s32 $0x1C8C;
	v21 =	vmul.f32 v37, v21;
	v16 =	vadd.f32 v63, v16;
	v17 =	vadd.f32 v23, v17  }
0x63: {  	v8 =	vld.idx.msk [tilespmem:v34+s3+$0x0], $0xffff;
	v34 =	vmul.f32 v45, v45;
	v0 =	vmul.f32 v57, v0;
	v63 =	vmov s30  }
0x64: {  	v31 =	vadd.f32 v47, v31;
	v18 =	vadd.f32 v22, v18;
	v22 =	vmul.f32 v45, v30  }
0x65: {  	v41 =	vld.idx.msk [tilespmem:v41+s3+$0x0], $0xffff;
	v7 =	vadd.f32 v10, v7;
	v10 =	vmul.f32 v53, v26;
	v26 =	vmul.f32 v40, v27  }
0x66: {  	v21 =	vadd.f32 v24, v21;
	v24 =	vmul.f32 v37, v37;
	v38 =	vand.u32 $0xFFFFFFFC, v63  }
0x67: {  	v50 =	vmul.f32 v11, v27;
	v11 =	vmul.f32 v11, v11;
	v14 =	vadd.f32 v16, v14  }
0x68: {  	v23 =	vld.idx.msk [tilespmem:v46+s3+$0x0], $0xffff;
	v27 =	vmul.f32 v51, v51;
	v22 =	vadd.f32 v55, v22;
	v10 =	vadd.f32 v26, v10  }
0x69: {  	v26 =	vmul.f32 v53, v53;
	v54 =	vmul.f32 v8, v29;
	v33 =	vadd.f32 v50, v48  }
0x6a: {  	v8 =	vmul.f32 v8, v8;
	v11 =	vadd.f32 v11, v13;
	v13 =	vmul.f32 v41, v28  }
0x6b: {  	s5 =	simm.s32 $0x8;
	v28 =	vmul.f32 v56, v29;
	v29 =	vmul.f32 v40, v40;
	v24 =	vadd.f32 v27, v24  }
0x6c: {  	v14 =	vadd.f32 v14, v20;
	v10 =	vadd.f32 v10, v21;
	v21 =	vor.u32 s5, v4  }
0x6d: {  	v32 =	vadd.f32 v54, v52;
	v8 =	vadd.f32 v8, v19;
	v19 =	vmul.f32 v23, v30  }
0x6e: {  	v13 =	vadd.f32 v28, v13;
	v28 =	vmul.f32 v41, v41;
	v30 =	vadd.f32 v36, v34  }
0x6f: {  	s8 =	simm.s32 $0xB;
	v23 =	vmul.f32 v23, v23;
	v26 =	vadd.f32 v29, v26;
	v0 =	vadd.f32 v0, v19  }
0x70: {  	s26 =	simm.s32 $0x1C88;
	v16 =	vadd.f32 v33, v31;
	v7 =	vadd.f32 v11, v7;
	v29 =	vor.u32 s8, v5  }
0x71: {  	v31 =	vmov s26;
	v0 =	vadd.f32 v0, v13;
	v13 =	vadd.f32 v17, v18  }
0x72: {  	v33 =	vand.u32 $0xFFFFFFF9, v60;
	v27 =	vadd.f32 v58, v28;
	v8 =	vadd.f32 v30, v8  }
0x73: {  	s25 =	simm.s32 $0x1C8F;
	v19 =	vmul.f32 v57, v57;
	v0 =	vadd.f32 v0, v10;
	v10 =	vadd.f32 v13, v9  }
0x74: {  	v13 =	vadd.f32 v8, v7;
	v8 =	vadd.f32 v14, v2;
	v14 =	vmov s25  }
0x75: {  	s7 =	simm.s32 $0xA;
	v11 =	vadd.f32 v26, v24;
	v26 =	vor.u32 s5, v5;
	v19 =	vadd.f32 v19, v23  }
0x76: {  	v34 =	vand.u32 $0xFFFFFFFA, v61;
	v31 =	vand.u32 $0xFFFFFFF8, v31;
	v28 =	vor.u32 s7, v5  }
0x77: {  	s6 =	simm.s32 $0x9;
	v37 =	vld.idx.msk [tilespmem:v59+s3+$0x0], $0xffff;
	v33 =	vbroadcast v33, $0x0;
	v34 =	vbroadcast v34, $0x0;
	v15 =	vadd.f32 v19, v27  }
0x78: {  	v22 =	vadd.f32 v22, v32;
	v24 =	vor.u32 s8, v4;
	v29 =	vld.idx.msk [tilespmem:v29+s3+$0x0], $0xffff;
	v27 =	vor.u32 s6, v5  }
0x79: {  	s10 =	simm.s32 $0xE;
	s12 =	simm.s32 $0xF;
	v20 =	vadd.f32 v15, v11;
	v11 =	vadd.f32 v13, v2;
	v13 =	vld.idx.msk [tilespmem:v14+s3+$0x0], $0xffff;
	v14 =	vor.u32 s9, v5  }
0x7a: {  	v30 =	vor.u32 s10, v5;
	v32 =	vor.u32 s12, v5;
	v31 =	vbroadcast v31, $0x0;
	v26 =	vld.idx.msk [tilespmem:v26+s3+$0x0], $0xffff  }
0x7b: {  	v16 =	vadd.f32 v22, v16;
	v22 =	vor.u32 s6, v4;
	v17 =	vor.u32 s6, v3;
	v28 =	vld.idx.msk [tilespmem:v28+s3+$0x0], $0xffff  }
0x7c: {  	v23 =	vor.u32 s7, v4;
	v18 =	vor.u32 s8, v3;
	v9 =	vadd.f32 v0, v2;
	v0 =	vld [tilespmem:$0x1E20]  }
0x7d: {  	v7 =	vadd.f32 v16, v2;
	v16 =	vor.u32 s5, v3;
	v19 =	vor.u32 s9, v3;
	v27 =	vld.idx.msk [tilespmem:v27+s3+$0x0], $0xffff  }
0x7e: {  	s4 =	simm.s32 $0x1C97;
	s13 =	simm.s32 $0x1C8E;
	v10 =	vadd.f32 v10, v2;
	v15 =	vor.u32 s7, v3;
	v36 =	vld.idx.msk [tilespmem:v14+s3+$0x0], $0xffff;
	v14 =	vimm.f32 $0.0e+00  }
.LBB2_1:
0x7f: {  	p0 =	sne.s32 s4, $0x1C9F;
	v38 =	vbroadcast v38, $0x0;
	v39 =	vand.u32 $0xFFFFFFFD, v39;
	v40 =	vmov s13;
	v41 =	vld.idx.msk [tilespmem:v30+s3+$0x0], $0xffff  }
0x80: {  	v42 =	vor.u32 s11, v4;
	v39 =	vbroadcast v39, $0x0;
	v40 =	vand.u32 $0xFFFFFFFE, v40;
	v43 =	vld.idx.msk [tilespmem:v32+s3+$0x0], $0xffff  }
0x81: {  	v44 =	vor.u32 s10, v4;
	v45 =	vor.u32 s12, v4;
	v30 =	vld.idx.msk [tilespmem:v31+s3+$0x0], $0xffff;
	v40 =	vbroadcast v40, $0x0  }
0x82: {  	v46 =	vor.u32 s11, v3;
	v47 =	vor.u32 s10, v3;
	v48 =	vor.u32 s12, v3;
	v31 =	vld.idx.msk [tilespmem:v33+s3+$0x0], $0xffff  }
0x83: {  	v49 =	vor.u32 s5, v1;
	v50 =	vor.u32 s6, v1;
	v51 =	vor.u32 s7, v1;
	v32 =	vld.idx.msk [tilespmem:v34+s3+$0x0], $0xffff  }
0x84: {  	v52 =	vor.u32 s8, v1;
	v53 =	vor.u32 s9, v1;
	v54 =	vor.u32 s11, v1;
	v33 =	vld.idx.msk [tilespmem:v35+s3+$0x0], $0xffff  }
0x85: {  	v55 =	vor.u32 s10, v1;
	v56 =	vmul.f32 v26, v26;
	v34 =	vld.idx.msk [tilespmem:v38+s3+$0x0], $0xffff;
	v38 =	vor.u32 s12, v1  }
0x86: {  	v2 =	vadd.f32 v20, v2;
	v57 =	vmul.f32 v28, v28;
	v35 =	vld.idx.msk [tilespmem:v39+s3+$0x0], $0xffff;
	v39 =	vmul.f32 v27, v27  }
0x87: {  	v14 =	vadd.f32 v12, v14;
	v58 =	vmul.f32 v36, v36;
	v20 =	vld.idx.msk [tilespmem:v40+s3+$0x0], $0xffff;
	v40 =	vmul.f32 v29, v29  }
0x88: {  	v59 =	vmul.f32 v41, v41;
	v12 =	vld.idx.msk [tilespmem:v21+s3+$0x0], $0xffff;
	v21 =	vmul.f32 v37, v37;
	v39 =	vadd.f32 v39, v56  }
0x89: {  	v56 =	vmul.f32 v43, v43;
	v22 =	vld.idx.msk [tilespmem:v22+s3+$0x0], $0xffff;
	v40 =	vadd.f32 v40, v57  }
0x8a: {  	v26 =	vmul.f32 v26, v30;
	v43 =	vmul.f32 v43, v13;
	v23 =	vld.idx.msk [tilespmem:v23+s3+$0x0], $0xffff;
	v21 =	vadd.f32 v21, v58  }
0x8b: {  	v27 =	vmul.f32 v27, v31;
	v28 =	vmul.f32 v28, v32;
	v56 =	vadd.f32 v56, v59;
	v24 =	vld.idx.msk [tilespmem:v24+s3+$0x0], $0xffff  }
0x8c: {  	v29 =	vmul.f32 v29, v33;
	v36 =	vmul.f32 v36, v34;
	v39 =	vadd.f32 v40, v39;
	v25 =	vld.idx.msk [tilespmem:v25+s3+$0x0], $0xffff  }
0x8d: {  	v37 =	vmul.f32 v37, v35;
	v41 =	vmul.f32 v41, v20;
	v21 =	vadd.f32 v56, v21;
	v40 =	vld.idx.msk [tilespmem:v42+s3+$0x0], $0xffff  }
0x8e: {  	v26 =	vadd.f32 v27, v26;
	v27 =	vadd.f32 v29, v28;
	v42 =	vld.idx.msk [tilespmem:v44+s3+$0x0], $0xffff;
	v44 =	vmul.f32 v12, v30  }
0x8f: {  	v36 =	vadd.f32 v37, v36;
	v29 =	vmul.f32 v22, v31;
	v37 =	vadd.f32 v43, v41;
	v28 =	vld.idx.msk [tilespmem:v45+s3+$0x0], $0xffff  }
0x90: {  	v43 =	vmul.f32 v12, v12;
	v12 =	vadd.f32 v21, v39;
	v41 =	vmul.f32 v23, v32;
	v16 =	vld.idx.msk [tilespmem:v16+s3+$0x0], $0xffff  }
0x91: {  	v26 =	vadd.f32 v27, v26;
	v21 =	vmul.f32 v24, v33;
	v27 =	vadd.f32 v37, v36;
	v17 =	vld.idx.msk [tilespmem:v17+s3+$0x0], $0xffff  }
0x92: {  	v22 =	vmul.f32 v22, v22;
	v29 =	vadd.f32 v29, v44;
	v36 =	vmul.f32 v25, v34;
	v15 =	vld.idx.msk [tilespmem:v15+s3+$0x0], $0xffff  }
0x93: {  	v23 =	vmul.f32 v23, v23;
	v37 =	vmul.f32 v40, v35;
	v26 =	vadd.f32 v27, v26;
	v18 =	vld.idx.msk [tilespmem:v18+s3+$0x0], $0xffff  }
0x94: {  	v24 =	vmul.f32 v24, v24;
	v21 =	vadd.f32 v21, v41;
	v27 =	vmul.f32 v42, v20;
	v19 =	vld.idx.msk [tilespmem:v19+s3+$0x0], $0xffff  }
0x95: {  	v25 =	vmul.f32 v25, v25;
	v39 =	vmul.f32 v28, v13;
	v6 =	vadd.f32 v26, v6;
	v41 =	vld.idx.msk [tilespmem:v46+s3+$0x0], $0xffff  }
0x96: {  	v26 =	vadd.f32 v37, v36;
	v36 =	vmul.f32 v40, v40;
	v40 =	vmul.f32 v16, v30;
	v37 =	vld.idx.msk [tilespmem:v47+s3+$0x0], $0xffff  }
0x97: {  	v27 =	vadd.f32 v39, v27;
	v39 =	vmul.f32 v42, v42;
	v44 =	vmul.f32 v17, v31;
	v42 =	vld.idx.msk [tilespmem:v48+s3+$0x0], $0xffff  }
0x98: {  	v22 =	vadd.f32 v22, v43;
	v28 =	vmul.f32 v28, v28;
	v43 =	vmul.f32 v15, v32;
	v45 =	vld.idx.msk [tilespmem:v49+s3+$0x0], $0xffff  }
0x99: {  	v16 =	vmul.f32 v16, v16;
	v46 =	vmul.f32 v18, v33;
	v40 =	vadd.f32 v44, v40;
	v44 =	vld.idx.msk [tilespmem:v50+s3+$0x0], $0xffff  }
0x9a: {  	v23 =	vadd.f32 v24, v23;
	v17 =	vmul.f32 v17, v17;
	v24 =	vmul.f32 v19, v34;
	v47 =	vld.idx.msk [tilespmem:v51+s3+$0x0], $0xffff  }
0x9b: {  	v15 =	vmul.f32 v15, v15;
	v48 =	vmul.f32 v41, v35;
	v43 =	vadd.f32 v46, v43;
	v46 =	vld.idx.msk [tilespmem:v52+s3+$0x0], $0xffff  }
0x9c: {  	v25 =	vadd.f32 v36, v25;
	v18 =	vmul.f32 v18, v18;
	v36 =	vmul.f32 v37, v20;
	v49 =	vld.idx.msk [tilespmem:v53+s3+$0x0], $0xffff  }
0x9d: {  	v19 =	vmul.f32 v19, v19;
	v50 =	vmul.f32 v42, v13;
	v24 =	vadd.f32 v48, v24;
	v48 =	vld.idx.msk [tilespmem:v54+s3+$0x0], $0xffff  }
0x9e: {  	v28 =	vadd.f32 v28, v39;
	v39 =	vmul.f32 v41, v41;
	v30 =	vmul.f32 v45, v30;
	v41 =	vld.idx.msk [tilespmem:v55+s3+$0x0], $0xffff  }
0x9f: {  	v37 =	vmul.f32 v37, v37;
	v36 =	vadd.f32 v50, v36;
	v31 =	vmul.f32 v44, v31;
	v38 =	vld.idx.msk [tilespmem:v38+s3+$0x0], $0xffff  }
0xa0: {  	v16 =	vadd.f32 v17, v16;
	v42 =	vmul.f32 v42, v42;
	v17 =	vmul.f32 v47, v32  }
0xa1: {  	v32 =	vmul.f32 v46, v33;
	v30 =	vadd.f32 v31, v30;
	v31 =	vmul.f32 v45, v45  }
0xa2: {  	v15 =	vadd.f32 v18, v15;
	v33 =	vmul.f32 v44, v44;
	v18 =	vmul.f32 v49, v34  }
0xa3: {  	v34 =	vmul.f32 v48, v35;
	v17 =	vadd.f32 v32, v17;
	v32 =	vmul.f32 v47, v47  }
0xa4: {  	v19 =	vadd.f32 v39, v19;
	v35 =	vmul.f32 v46, v46;
	v20 =	vmul.f32 v41, v20  }
0xa5: {  	v13 =	vmul.f32 v38, v13;
	v18 =	vadd.f32 v34, v18;
	v34 =	vmul.f32 v49, v49  }
0xa6: {  	v37 =	vadd.f32 v42, v37;
	v39 =	vmul.f32 v48, v48;
	v41 =	vmul.f32 v41, v41  }
0xa7: {  	v31 =	vadd.f32 v33, v31;
	v13 =	vadd.f32 v13, v20;
	v20 =	vmul.f32 v38, v38  }
0xa8: {  	v32 =	vadd.f32 v35, v32;
	v33 =	vadd.f32 v39, v34  }
0xa9: {  	v21 =	vadd.f32 v21, v29;
	v20 =	vadd.f32 v20, v41  }
0xaa: {  	v26 =	vadd.f32 v27, v26;
	v27 =	vadd.f32 v43, v40  }
0xab: {  	v24 =	vadd.f32 v36, v24;
	v17 =	vadd.f32 v17, v30  }
0xac: {  	v22 =	vadd.f32 v23, v22;
	v13 =	vadd.f32 v13, v18  }
0xad: {  	v15 =	vadd.f32 v15, v16;
	v18 =	vadd.f32 v28, v25  }
0xae: {  	v16 =	vadd.f32 v37, v19;
	v19 =	vadd.f32 v32, v31  }
0xaf: {  	v21 =	vadd.f32 v26, v21;
	v20 =	vadd.f32 v20, v33  }
0xb0: {  	v23 =	vadd.f32 v24, v27;
	v13 =	vadd.f32 v13, v17  }
0xb1: {  	v15 =	vadd.f32 v16, v15;
	v17 =	vadd.f32 v18, v22  }
0xb2: {  	v8 =	vadd.f32 v21, v8;
	v20 =	vadd.f32 v20, v19  }
0xb3: {  	v7 =	vadd.f32 v23, v7;
	v9 =	vadd.f32 v13, v9  }
0xb4: {  	s5 =	sadd.s32 $0xFFFFE379, s4;
	v11 =	vadd.f32 v15, v11;
	v13 =	vmov s4;
	v10 =	vadd.f32 v17, v10  }
0xb5: {  	s6 =	sadd.s32 $0xFFFFE37A, s4;
	v26 =	vor.u32 s5, v5;
	v21 =	vor.u32 s5, v4;
	v16 =	vor.u32 s5, v3  }
0xb6: {  	s7 =	sadd.s32 $0xFFFFE37B, s4;
	v27 =	vor.u32 s6, v5;
	v22 =	vor.u32 s6, v4;
	v17 =	vor.u32 s6, v3  }
0xb7: {  	s8 =	sadd.s32 $0xFFFFE37C, s4;
	v23 =	vor.u32 s7, v4;
	v15 =	vor.u32 s7, v3;
	v28 =	vor.u32 s7, v5  }
0xb8: {  	s9 =	sadd.s32 $0xFFFFE37D, s4;
	v29 =	vor.u32 s8, v5;
	v24 =	vor.u32 s8, v4;
	v18 =	vor.u32 s8, v3  }
0xb9: {  	s11 =	sadd.s32 $0xFFFFE37E, s4;
	s10 =	sadd.s32 $0xFFFFE37F, s4;
	s12 =	sadd.s32 $0xFFFFFFF9, s4;
	v35 =	vor.u32 s9, v5;
	v25 =	vor.u32 s9, v4;
	v19 =	vor.u32 s9, v3;
	v13 =	vld.idx.msk [tilespmem:v13+s3+$0x0], $0xffff  }
0xba: {  	s13 =	sadd.s32 $0xFFFFFFFA, s4;
	v37 =	vor.u32 s11, v5;
	v30 =	vor.u32 s10, v5;
	v31 =	vmov s12;
	s12 =	sadd.s32 $0xFFFFE380, s4;
	v26 =	vld.idx.msk [tilespmem:v26+s3+$0x0], $0xffff  }
.Ltmp0:
0xbb: {  	v31 =	vand.u32 $0xFFFFFFF8, v31;
	v32 =	vor.u32 s12, v5;
	v33 =	vmov s13;
	s13 =	sadd.s32 $0xFFFFFFFB, s4;
	v27 =	vld.idx.msk [tilespmem:v27+s3+$0x0], $0xffff;
	(pc) =	sbr.rel @p0 .LBB2_1-.Ltmp0, $4  }
0xbc: {  	v31 =	vbroadcast v31, $0x0;
	v33 =	vand.u32 $0xFFFFFFF9, v33;
	v34 =	vmov s13;
	s13 =	sadd.s32 $0xFFFFFFFC, s4;
	v28 =	vld.idx.msk [tilespmem:v28+s3+$0x0], $0xffff  }
0xbd: {  	v33 =	vbroadcast v33, $0x0;
	v34 =	vand.u32 $0xFFFFFFFA, v34;
	v36 =	vmov s13;
	s13 =	sadd.s32 $0xFFFFFFFD, s4;
	v29 =	vld.idx.msk [tilespmem:v29+s3+$0x0], $0xffff  }
0xbe: {  	v34 =	vbroadcast v34, $0x0;
	v38 =	vand.u32 $0xFFFFFFFB, v36;
	v39 =	vmov s13;
	s13 =	sadd.s32 $0xFFFFFFFE, s4;
	v36 =	vld.idx.msk [tilespmem:v35+s3+$0x0], $0xffff  }
0xbf: {  	v35 =	vbroadcast v38, $0x0;
	v38 =	vand.u32 $0xFFFFFFFC, v39;
	v39 =	vmov s13;
	s13 =	sadd.s32 $0xFFFFFFFF, s4;
	s4 =	sadd.s32 $0x8, s4;
	v37 =	vld.idx.msk [tilespmem:v37+s3+$0x0], $0xffff  }
0xc0: {  	_ =	sdelay $0x3  }
0xc1: {  	v30 =	vld.idx.msk [tilespmem:v30+s3+$0x0], $0xffff  }
0xc2: {  	v32 =	vld.idx.msk [tilespmem:v32+s3+$0x0], $0xffff  }
0xc3: {  	v31 =	vld.idx.msk [tilespmem:v31+s3+$0x0], $0xffff  }
0xc4: {  	v5 =	vand.u32 $0xFFFFFFFD, v39;
	v59 =	vmov s13;
	v38 =	vbroadcast v38, $0x0;
	v33 =	vld.idx.msk [tilespmem:v33+s3+$0x0], $0xffff  }
0xc5: {  	v40 =	vor.u32 s11, v4;
	v41 =	vor.u32 s10, v4;
	v4 =	vor.u32 s12, v4;
	v34 =	vld.idx.msk [tilespmem:v34+s3+$0x0], $0xffff  }
0xc6: {  	v44 =	vor.u32 s5, v1;
	v45 =	vor.u32 s6, v1;
	v46 =	vor.u32 s7, v1;
	v21 =	vld.idx.msk [tilespmem:v21+s3+$0x0], $0xffff  }
0xc7: {  	v47 =	vor.u32 s8, v1;
	v48 =	vor.u32 s9, v1;
	v49 =	vor.u32 s11, v1;
	v22 =	vld.idx.msk [tilespmem:v22+s3+$0x0], $0xffff  }
0xc8: {  	v50 =	vor.u32 s10, v1;
	v51 =	vmul.f32 v26, v26;
	v52 =	vor.u32 s12, v1;
	v23 =	vld.idx.msk [tilespmem:v23+s3+$0x0], $0xffff  }
0xc9: {  	v1 =	vmul.f32 v27, v27;
	v24 =	vld.idx.msk [tilespmem:v24+s3+$0x0], $0xffff;
	v5 =	vbroadcast v5, $0x0;
	v39 =	vand.u32 $0xFFFFFFFE, v59  }
0xca: {  	v42 =	vor.u32 s11, v3;
	v17 =	vld.idx.msk [tilespmem:v17+s3+$0x0], $0xffff;
	v53 =	vmul.f32 v28, v28;
	v39 =	vbroadcast v39, $0x0  }
0xcb: {  	v20 =	vadd.f32 v20, v2;
	v15 =	vld.idx.msk [tilespmem:v15+s3+$0x0], $0xffff;
	v2 =	vmul.f32 v29, v29;
	v54 =	vmul.f32 v36, v36  }
0xcc: {  	v12 =	vadd.f32 v12, v14;
	v35 =	vld.idx.msk [tilespmem:v35+s3+$0x0], $0xffff;
	v14 =	vmul.f32 v37, v37;
	v55 =	vmul.f32 v30, v30  }
0xcd: {  	v43 =	vor.u32 s10, v3;
	v18 =	vld.idx.msk [tilespmem:v18+s3+$0x0], $0xffff;
	v60 =	vmul.f32 v32, v32;
	v26 =	vmul.f32 v26, v31  }
0xce: {  	v1 =	vadd.f32 v1, v51;
	v32 =	vmul.f32 v32, v13;
	v27 =	vmul.f32 v27, v33;
	v4 =	vld.idx.msk [tilespmem:v4+s3+$0x0], $0xffff  }
0xcf: {  	v2 =	vadd.f32 v2, v53;
	v28 =	vmul.f32 v28, v34;
	v63 =	vmul.f32 v21, v31;
	v56 =	vld.idx.msk [tilespmem:v45+s3+$0x0], $0xffff  }
0xd0: {  	v3 =	vor.u32 s12, v3;
	v21 =	vmul.f32 v21, v21;
	v53 =	vmul.f32 v17, v33;
	v59 =	vld.idx.msk [tilespmem:v47+s3+$0x0], $0xffff  }
0xd1: {  	v17 =	vmul.f32 v17, v17;
	v38 =	vld.idx.msk [tilespmem:v38+s3+$0x0], $0xffff;
	v29 =	vmul.f32 v29, v35;
	v1 =	vadd.f32 v2, v1  }
0xd2: {  	v2 =	vld.idx.msk [tilespmem:v25+s3+$0x0], $0xffff;
	v51 =	vadd.f32 v60, v55;
	v26 =	vadd.f32 v27, v26;
	v55 =	vmul.f32 v18, v35  }
0xd3: {  	v5 =	vld.idx.msk [tilespmem:v5+s3+$0x0], $0xffff;
	v27 =	vadd.f32 v29, v28;
	v29 =	vmul.f32 v22, v33;
	v22 =	vmul.f32 v22, v22  }
0xd4: {  	v14 =	vadd.f32 v14, v54;
	v18 =	vmul.f32 v18, v18;
	v28 =	vld.idx.msk [tilespmem:v41+s3+$0x0], $0xffff;
	v41 =	vmul.f32 v4, v13  }
0xd5: {  	v39 =	vld.idx.msk [tilespmem:v39+s3+$0x0], $0xffff;
	v4 =	vmul.f32 v4, v4;
	v21 =	vadd.f32 v22, v21;
	v22 =	vmul.f32 v15, v34  }
0xd6: {  	v60 =	vld.idx.msk [tilespmem:v48+s3+$0x0], $0xffff;
	v14 =	vadd.f32 v51, v14;
	v15 =	vmul.f32 v15, v15;
	v33 =	vmul.f32 v56, v33  }
0xd7: {  	v29 =	vadd.f32 v29, v63;
	v63 =	vld.idx.msk [tilespmem:v52+s3+$0x0], $0xffff;
	v48 =	vmul.f32 v59, v35;
	v52 =	vmul.f32 v59, v59  }
0xd8: {  	v26 =	vadd.f32 v27, v26;
	v61 =	vmul.f32 v36, v38;
	v36 =	vmul.f32 v23, v34  }
0xd9: {  	v3 =	vld.idx.msk [tilespmem:v3+s3+$0x0], $0xffff;
	v14 =	vadd.f32 v14, v1;
	v1 =	vmul.f32 v24, v35;
	v27 =	vmul.f32 v2, v38  }
0xda: {  	v51 =	vld.idx.msk [tilespmem:v43+s3+$0x0], $0xffff;
	v25 =	vmul.f32 v37, v5;
	v30 =	vmul.f32 v30, v39  }
0xdb: {  	v23 =	vmul.f32 v23, v23;
	v24 =	vmul.f32 v24, v24  }
0xdc: {  	v62 =	vld.idx.msk [tilespmem:v40+s3+$0x0], $0xffff;
	v2 =	vmul.f32 v2, v2;
	v25 =	vadd.f32 v25, v61;
	v30 =	vadd.f32 v32, v30  }
0xdd: {  	v22 =	vadd.f32 v55, v22;
	v15 =	vadd.f32 v18, v15;
	v18 =	vmul.f32 v60, v38  }
0xde: {  	v16 =	vld.idx.msk [tilespmem:v16+s3+$0x0], $0xffff;
	v23 =	vadd.f32 v24, v23;
	v61 =	vmul.f32 v3, v13;
	v25 =	vadd.f32 v30, v25  }
0xdf: {  	s14 =	simm.s32 $0x1C20;
	v54 =	vld.idx.msk [tilespmem:v44+s3+$0x0], $0xffff;
	v37 =	vmul.f32 v51, v51;
	v3 =	vmul.f32 v3, v3;
	v32 =	vadd.f32 v1, v36  }
0xe0: {  	v55 =	vmov s14;
	v21 =	vadd.f32 v23, v21;
	v25 =	vadd.f32 v25, v26  }
0xe1: {  	v3 =	vadd.f32 v3, v37;
	v30 =	vmul.f32 v62, v5;
	v29 =	vadd.f32 v32, v29  }
0xe2: {  	v57 =	vld.idx.msk [tilespmem:v46+s3+$0x0], $0xffff;
	v26 =	vmul.f32 v28, v39;
	v28 =	vmul.f32 v28, v28;
	v1 =	vadd.f32 v25, v6  }
0xe3: {  	v19 =	vld.idx.msk [tilespmem:v19+s3+$0x0], $0xffff;
	v25 =	vadd.f32 v30, v27;
	v27 =	vmul.f32 v62, v62;
	v30 =	vmul.f32 v16, v31  }
0xe4: {  	v16 =	vmul.f32 v16, v16;
	v62 =	vld.idx.msk [tilespmem:v49+s3+$0x0], $0xffff;
	v4 =	vadd.f32 v4, v28;
	v28 =	vmul.f32 v54, v31  }
0xe5: {  	v26 =	vadd.f32 v41, v26;
	v31 =	vld.idx.msk [tilespmem:v50+s3+$0x0], $0xffff;
	v49 =	vmul.f32 v54, v54;
	v50 =	vmul.f32 v56, v56  }
0xe6: {  	v30 =	vadd.f32 v53, v30;
	v2 =	vadd.f32 v27, v2;
	v27 =	vmul.f32 v51, v39  }
0xe7: {  	v6 =	vld.idx.msk [tilespmem:v42+s3+$0x0], $0xffff;
	v16 =	vadd.f32 v17, v16;
	v17 =	vmul.f32 v57, v34;
	v28 =	vadd.f32 v33, v28  }
0xe8: {  	v51 =	vmul.f32 v57, v57;
	v33 =	vadd.f32 v50, v49;
	v25 =	vadd.f32 v26, v25  }
0xe9: {  	v24 =	vmul.f32 v19, v38;
	v27 =	vadd.f32 v61, v27;
	v17 =	vadd.f32 v48, v17  }
0xea: {  	v19 =	vmul.f32 v19, v19;
	v34 =	vadd.f32 v52, v51;
	v22 =	vadd.f32 v22, v30  }
0xeb: {  	v13 =	vmul.f32 v63, v13;
	v2 =	vadd.f32 v4, v2;
	v4 =	vadd.f32 v15, v16  }
0xec: {  	s20 =	simm.s32 $0x1C23;
	v16 =	vadd.f32 v25, v29;
	v58 =	vmul.f32 v6, v5;
	v6 =	vmul.f32 v6, v6  }
0xed: {  	s21 =	simm.s32 $0x1C24;
	v61 =	vmov s20;
	v5 =	vmul.f32 v62, v5;
	v53 =	vmul.f32 v62, v62  }
0xee: {  	v40 =	vand.u32 $0xFFFFFFFB, v61;
	v62 =	vmov s21;
	v17 =	vadd.f32 v17, v28  }
0xef: {  	[tilespmem:$0x1FF80] =	vst v1;
	v15 =	vadd.f32 v34, v33;
	v1 =	vadd.f32 v16, v8;
	v34 =	vand.u32 $0xFFFFFFF8, v55  }
0xf0: {  	v40 =	vbroadcast v40, $0x0;
	v6 =	vadd.f32 v6, v19;
	v19 =	vmul.f32 v31, v39  }
0xf1: {  	s8 =	simm.s32 $0x3;
	v41 =	vand.u32 $0xFFFFFFFC, v62;
	v5 =	vadd.f32 v5, v18;
	v18 =	vmul.f32 v60, v60  }
0xf2: {  	s17 =	simm.s32 $0x1C21;
	_ =	swait.ge [sflag:s8], $0x40;
	v24 =	vadd.f32 v58, v24;
	v31 =	vmul.f32 v31, v31;
	v13 =	vadd.f32 v13, v19  }
0xf3: {  	[sflag:s8] =	ssyncset.done $0x0;
	v58 =	vmov s17;
	v19 =	vmul.f32 v63, v63;
	v18 =	vadd.f32 v53, v18  }
0xf4: {  	s19 =	simm.s32 $0x1C22;
	[sflag:s8] =	ssyncadd.s32 $0xFFFFFFC0;
	v34 =	vbroadcast v34, $0x0;
	v24 =	vadd.f32 v27, v24;
	v5 =	vadd.f32 v13, v5  }
0xf5: {  	v60 =	vmov s19;
	v19 =	vadd.f32 v19, v31;
	v13 =	vadd.f32 v3, v6;
	v3 =	vld [tilespmem:$0x110]  }
0xf6: {  	v37 =	vand.u32 $0xFFFFFFF9, v58;
	v5 =	vadd.f32 v5, v17;
	v17 =	vadd.f32 v2, v21;
	v2 =	vld [tilespmem:$0x130]  }
0xf7: {  	s22 =	simm.s32 $0x1C25;
	v41 =	vbroadcast v41, $0x0;
	v39 =	vand.u32 $0xFFFFFFFA, v60;
	v37 =	vbroadcast v37, $0x0  }
0xf8: {  	v63 =	vmov s22;
	v18 =	vadd.f32 v19, v18;
	v19 =	vadd.f32 v24, v22  }
0xf9: {  	s3 =	simm.s32 $0x180;
	v39 =	vbroadcast v39, $0x0;
	v42 =	vand.u32 $0xFFFFFFFD, v63;
	v6 =	vld [tilespmem:$0x100]  }
0xfa: {  	[tilespmem:$0x1FF90] =	vst v1;
	v42 =	vbroadcast v42, $0x0;
	v40 =	vld.idx.msk [tilespmem:v40+s3+$0x0], $0xffff;
	v1 =	vadd.f32 v19, v7;
	v19 =	vmul.u32 $0x60, v3  }
0xfb: {  	s10 =	simm.s32 $0x1;
	v13 =	vadd.f32 v13, v4;
	v4 =	vld [tilespmem:$0x120];
	v21 =	vmul.u32 $0x60, v2  }
0xfc: {  	s4 =	simm.s32 $0x0;
	v34 =	vld.idx.msk [tilespmem:v34+s3+$0x0], $0xffff;
	v24 =	vadd.s32 s10, v19  }
0xfd: {  	v41 =	vld.idx.msk [tilespmem:v41+s3+$0x0], $0xffff;
	v16 =	vadd.s32 s4, v21  }
0xfe: {  	s11 =	simm.s32 $0x2;
	v37 =	vld.idx.msk [tilespmem:v37+s3+$0x0], $0xffff;
	v23 =	vadd.s32 s10, v21  }
0xff: {  	s12 =	simm.s32 $0x3;
	v15 =	vadd.f32 v18, v15;
	v39 =	vld.idx.msk [tilespmem:v39+s3+$0x0], $0xffff;
	v27 =	vadd.s32 s11, v21  }
0x100: {  	s13 =	simm.s32 $0x4;
	s23 =	simm.s32 $0x1C26;
	v18 =	vimm.f32 $0.0e+00;
	[tilespmem:$0x1FFA0] =	vst v1;
	v1 =	vadd.f32 v5, v9;
	v42 =	vld.idx.msk [tilespmem:v42+s3+$0x0], $0xffff;
	v30 =	vadd.s32 s12, v21  }
0x101: {  	s15 =	simm.s32 $0x5;
	v9 =	vmov s23;
	v26 =	vadd.s32 s11, v19;
	v54 =	vadd.s32 s13, v21;
	v24 =	vld.idx.msk [tilespmem:v24+s3+$0x0], $0xffff  }
0x102: {  	s16 =	simm.s32 $0x6;
	v29 =	vadd.s32 s12, v19;
	[tilespmem:$0x1FFB0] =	vst v1;
	v1 =	vadd.f32 v17, v10;
	v56 =	vadd.s32 s15, v21;
	v16 =	vld.idx.msk [tilespmem:v16+s3+$0x0], $0xffff  }
0x103: {  	s18 =	simm.s32 $0x7;
	v32 =	vadd.s32 s13, v19;
	v43 =	vand.u32 $0xFFFFFFFE, v9;
	v57 =	vadd.s32 s16, v21;
	v23 =	vld.idx.msk [tilespmem:v23+s3+$0x0], $0xffff  }
0x104: {  	v47 =	vadd.s32 s15, v19;
	v59 =	vadd.s32 s18, v21;
	[tilespmem:$0x1FFC0] =	vst v1;
	v1 =	vadd.f32 v13, v11;
	v27 =	vld.idx.msk [tilespmem:v27+s3+$0x0], $0xffff  }
0x105: {  	v48 =	vadd.s32 s16, v19;
	v49 =	vadd.s32 s18, v19;
	v13 =	vmul.u32 $0x60, v4;
	v30 =	vld.idx.msk [tilespmem:v30+s3+$0x0], $0xffff  }
0x106: {  	v43 =	vbroadcast v43, $0x0;
	[tilespmem:$0x1FFD0] =	vst v1;
	v1 =	vadd.f32 v15, v20;
	v20 =	vmul.u32 $0x60, v6;
	v33 =	vld.idx.msk [tilespmem:v54+s3+$0x0], $0xffff  }
0x107: {  	s9 =	simm.s32 $0x1C27;
	v15 =	vadd.s32 s4, v19;
	v50 =	vadd.s32 s4, v13;
	v51 =	vadd.s32 s10, v13;
	v35 =	vld.idx.msk [tilespmem:v56+s3+$0x0], $0xffff  }
0x108: {  	v52 =	vadd.s32 s11, v13;
	[tilespmem:$0x1FFE0] =	vst v1;
	v1 =	vadd.f32 v14, v12;
	v12 =	vmov s9;
	v36 =	vld.idx.msk [tilespmem:v57+s3+$0x0], $0xffff  }
0x109: {  	v53 =	vadd.s32 s12, v13;
	v62 =	vadd.s32 s18, v13;
	v14 =	vadd.s32 s4, v20;
	v38 =	vld.idx.msk [tilespmem:v59+s3+$0x0], $0xffff  }
0x10a: {  	v26 =	vld.idx.msk [tilespmem:v26+s3+$0x0], $0xffff;
	v22 =	vadd.s32 s10, v20;
	v25 =	vadd.s32 s11, v20;
	v28 =	vadd.s32 s12, v20  }
0x10b: {  	v32 =	vld.idx.msk [tilespmem:v32+s3+$0x0], $0xffff;
	v31 =	vadd.s32 s13, v20;
	v10 =	vmul.f32 v16, v16;
	v57 =	vmul.f32 v23, v23  }
0x10c: {  	v44 =	vadd.s32 s15, v20;
	v43 =	vld.idx.msk [tilespmem:v43+s3+$0x0], $0xffff;
	v58 =	vmul.f32 v27, v27;
	v60 =	vmul.f32 v30, v30  }
0x10d: {  	v45 =	vadd.s32 s16, v20;
	v12 =	vld.idx.msk [tilespmem:v12+s3+$0x0], $0xffff;
	v61 =	vmul.f32 v33, v33;
	v63 =	vmul.f32 v35, v35  }
0x10e: {  	v46 =	vadd.s32 s18, v20;
	[tilespmem:$0x1FFF0] =	vst v1;
	v1 =	vmul.f32 v36, v36;
	v14 =	vld.idx.msk [tilespmem:v14+s3+$0x0], $0xffff;
	v11 =	vmul.f32 v38, v38  }
0x10f: {  	v54 =	vadd.s32 s13, v13;
	v22 =	vld.idx.msk [tilespmem:v22+s3+$0x0], $0xffff;
	v16 =	vmul.f32 v16, v34;
	v23 =	vmul.f32 v23, v37  }
0x110: {  	v56 =	vadd.s32 s15, v13;
	v25 =	vld.idx.msk [tilespmem:v25+s3+$0x0], $0xffff;
	v27 =	vmul.f32 v27, v39;
	v30 =	vmul.f32 v30, v40  }
0x111: {  	v28 =	vld.idx.msk [tilespmem:v28+s3+$0x0], $0xffff;
	v33 =	vmul.f32 v33, v41;
	v55 =	vadd.f32 v57, v10;
	v58 =	vadd.f32 v60, v58  }
0x112: {  	v31 =	vld.idx.msk [tilespmem:v31+s3+$0x0], $0xffff;
	v35 =	vmul.f32 v35, v42;
	v9 =	vadd.f32 v63, v61;
	v1 =	vadd.f32 v11, v1  }
0x113: {  	v36 =	vmul.f32 v36, v43;
	v44 =	vld.idx.msk [tilespmem:v44+s3+$0x0], $0xffff;
	v16 =	vadd.f32 v23, v16;
	v27 =	vadd.f32 v30, v27  }
0x114: {  	v30 =	vld.idx.msk [tilespmem:v45+s3+$0x0], $0xffff;
	v55 =	vadd.f32 v58, v55;
	v1 =	vadd.f32 v1, v9;
	v38 =	vmul.f32 v38, v12  }
0x115: {  	v33 =	vadd.f32 v35, v33;
	v60 =	vld.idx.msk [tilespmem:v46+s3+$0x0], $0xffff;
	v10 =	vmul.f32 v14, v34;
	v11 =	vmul.f32 v22, v37  }
0x116: {  	v61 =	vmul.f32 v25, v39;
	v14 =	vmul.f32 v14, v14;
	v23 =	vadd.f32 v1, v55;
	v1 =	vld.idx.msk [tilespmem:v15+s3+$0x0], $0xffff  }
0x117: {  	v63 =	vmul.f32 v31, v41;
	v22 =	vmul.f32 v22, v22;
	v35 =	vadd.f32 v11, v10;
	v11 =	vld.idx.msk [tilespmem:v47+s3+$0x0], $0xffff  }
0x118: {  	s6 =	simm.s32 $0xE;
	v59 =	vadd.s32 s16, v13;
	v9 =	vmul.f32 v44, v42;
	v25 =	vmul.f32 v25, v25;
	v47 =	vld.idx.msk [tilespmem:v48+s3+$0x0], $0xffff  }
0x119: {  	v45 =	vadd.s32 s6, v21;
	v31 =	vmul.f32 v31, v31;
	v44 =	vmul.f32 v44, v44;
	v48 =	vld.idx.msk [tilespmem:v49+s3+$0x0], $0xffff  }
0x11a: {  	s10 =	simm.s32 $0xB;
	v16 =	vadd.f32 v27, v16;
	v15 =	vmul.f32 v28, v40;
	v28 =	vmul.f32 v28, v28;
	v49 =	vld.idx.msk [tilespmem:v50+s3+$0x0], $0xffff  }
0x11b: {  	v55 =	vadd.s32 s10, v21;
	v58 =	vadd.f32 v38, v36;
	v10 =	vmul.f32 v60, v12;
	v50 =	vld.idx.msk [tilespmem:v53+s3+$0x0], $0xffff  }
0x11c: {  	v36 =	vmul.f32 v60, v60;
	v14 =	vadd.f32 v22, v14;
	v22 =	vmul.f32 v26, v39;
	v53 =	vld.idx.msk [tilespmem:v54+s3+$0x0], $0xffff  }
0x11d: {  	s11 =	simm.s32 $0xA;
	v26 =	vmul.f32 v26, v26;
	v31 =	vadd.f32 v44, v31;
	v15 =	vadd.f32 v15, v61;
	v61 =	vld.idx.msk [tilespmem:v51+s3+$0x0], $0xffff  }
0x11e: {  	s25 =	simm.s32 $0x1C28;
	v54 =	vadd.s32 s11, v21;
	v25 =	vadd.f32 v28, v25;
	v28 =	vmul.f32 v32, v41;
	v51 =	vld.idx.msk [tilespmem:v52+s3+$0x0], $0xffff  }
0x11f: {  	v32 =	vmul.f32 v32, v32;
	v52 =	vld.idx.msk [tilespmem:v56+s3+$0x0], $0xffff;
	v56 =	vmov s25;
	v27 =	vadd.f32 v58, v33  }
0x120: {  	v33 =	vadd.f32 v9, v63;
	v58 =	vmul.f32 v24, v37;
	v24 =	vmul.f32 v24, v24  }
0x121: {  	v16 =	vadd.f32 v27, v16;
	v27 =	vld.idx.msk [tilespmem:v29+s3+$0x0], $0xffff;
	v29 =	vmul.f32 v30, v43;
	v57 =	vmul.f32 v1, v34  }
0x122: {  	v15 =	vadd.f32 v15, v35;
	v30 =	vmul.f32 v30, v30;
	v1 =	vmul.f32 v1, v1  }
0x123: {  	s12 =	simm.s32 $0x8;
	v14 =	vadd.f32 v25, v14;
	v63 =	vmul.f32 v11, v42;
	v9 =	vmul.f32 v47, v43  }
0x124: {  	v35 =	vadd.s32 s12, v20;
	v11 =	vmul.f32 v11, v11;
	v34 =	vmul.f32 v49, v34  }
0x125: {  	v47 =	vmul.f32 v47, v47;
	v16 =	vadd.f32 v16, v18;
	v29 =	vadd.f32 v10, v29  }
0x126: {  	v38 =	vadd.f32 v58, v57;
	v10 =	vmul.f32 v48, v12;
	v37 =	vmul.f32 v61, v37  }
0x127: {  	v48 =	vmul.f32 v48, v48;
	v1 =	vadd.f32 v24, v1;
	v24 =	vmul.f32 v51, v39  }
0x128: {  	s9 =	simm.s32 $0x9;
	v30 =	vadd.f32 v36, v30;
	v57 =	vld.idx.msk [tilespmem:v59+s3+$0x0], $0xffff;
	v59 =	vmul.f32 v50, v40;
	v61 =	vmul.f32 v61, v61  }
0x129: {  	v58 =	vld.idx.msk [tilespmem:v62+s3+$0x0], $0xffff;
	v62 =	vmul.f32 v52, v42;
	v36 =	vadd.s32 s9, v20;
	v42 =	vand.u32 $0xFFFFFFF8, v56  }
0x12a: {  	v28 =	vadd.f32 v63, v28;
	v63 =	vmul.f32 v51, v51;
	v32 =	vadd.f32 v11, v32  }
0x12b: {  	v11 =	vmul.f32 v53, v53;
	v44 =	vadd.f32 v10, v9;
	v34 =	vadd.f32 v37, v34  }
0x12c: {  	v24 =	vadd.f32 v59, v24;
	v10 =	vmul.f32 v50, v50;
	v48 =	vadd.f32 v48, v47  }
0x12d: {  	s5 =	simm.s32 $0xC;
	v29 =	vadd.f32 v29, v33;
	v25 =	vadd.f32 v30, v31;
	v30 =	vadd.s32 s10, v19  }
0x12e: {  	s28 =	simm.s32 $0x1C2A;
	v31 =	vadd.s32 s5, v19;
	v60 =	vmul.f32 v27, v40;
	v27 =	vmul.f32 v27, v27  }
0x12f: {  	v59 =	vmov s28;
	v39 =	vadd.f32 v10, v63;
	v28 =	vadd.f32 v44, v28  }
0x130: {  	v24 =	vadd.f32 v24, v34;
	v26 =	vadd.f32 v27, v26;
	v27 =	vmul.f32 v53, v41  }
0x131: {  	v22 =	vadd.f32 v60, v22;
	v9 =	vmul.f32 v57, v43;
	v12 =	vmul.f32 v58, v12  }
0x132: {  	s30 =	simm.s32 $0x1C2C;
	v15 =	vadd.f32 v29, v15;
	v44 =	vbroadcast v42, $0x0;
	v27 =	vadd.f32 v62, v27  }
0x133: {  	v63 =	vmov s30;
	v12 =	vadd.f32 v12, v9;
	v22 =	vadd.f32 v22, v38  }
0x134: {  	v60 =	vmul.f32 v49, v49;
	v1 =	vadd.f32 v26, v1;
	v26 =	vadd.f32 v48, v32  }
0x135: {  	v49 =	vmul.f32 v52, v52;
	v46 =	vmul.f32 v57, v57;
	v12 =	vadd.f32 v12, v27  }
0x136: {  	s24 =	simm.s32 $0x1C2F;
	v50 =	vmul.f32 v58, v58;
	v22 =	vadd.f32 v28, v22;
	v1 =	vadd.f32 v26, v1  }
0x137: {  	v26 =	vmov s24;
	v12 =	vadd.f32 v12, v24;
	v24 =	vadd.f32 v25, v14  }
0x138: {  	s26 =	simm.s32 $0x1C29;
	v14 =	vadd.f32 v22, v18;
	v22 =	vadd.f32 v1, v18;
	v1 =	vadd.s32 s12, v21  }
0x139: {  	v53 =	vadd.s32 s9, v21;
	v41 =	vadd.s32 s5, v20;
	v57 =	vmov s26  }
0x13a: {  	s8 =	simm.s32 $0xF;
	v15 =	vadd.f32 v15, v18;
	v58 =	vand.u32 $0xFFFFFFF9, v57;
	v37 =	vadd.f32 v61, v60  }
0x13b: {  	s29 =	simm.s32 $0x1C2B;
	v51 =	vadd.f32 v49, v11;
	v52 =	vadd.f32 v50, v46;
	v46 =	vadd.s32 s8, v21  }
0x13c: {  	s7 =	simm.s32 $0xD;
	v60 =	vmov s29;
	v25 =	vadd.f32 v24, v18;
	v24 =	vld.idx.msk [tilespmem:v26+s3+$0x0], $0xffff;
	v26 =	vadd.s32 s5, v21  }
0x13d: {  	v47 =	vbroadcast v58, $0x0;
	v61 =	vand.u32 $0xFFFFFFFA, v59;
	v33 =	vld.idx.msk [tilespmem:v1+s3+$0x0], $0xffff;
	v1 =	vadd.s32 s7, v21  }
0x13e: {  	v40 =	vld.idx.msk [tilespmem:v55+s3+$0x0], $0xffff;
	v50 =	vand.u32 $0xFFFFFFFC, v63;
	v62 =	vand.u32 $0xFFFFFFFB, v60;
	v48 =	vbroadcast v61, $0x0  }
0x13f: {  	v38 =	vld.idx.msk [tilespmem:v54+s3+$0x0], $0xffff;
	v27 =	vadd.f32 v39, v37;
	v29 =	vadd.f32 v52, v51;
	v37 =	vadd.s32 s11, v20  }
0x140: {  	s31 =	simm.s32 $0x1C2D;
	v28 =	vadd.s32 s11, v19;
	v39 =	vadd.s32 s10, v20;
	v49 =	vbroadcast v62, $0x0;
	v34 =	vld.idx.msk [tilespmem:v53+s3+$0x0], $0xffff  }
0x141: {  	v51 =	vmov s31;
	v32 =	vadd.f32 v29, v27;
	v27 =	vadd.s32 s12, v19;
	v42 =	vld.idx.msk [tilespmem:v26+s3+$0x0], $0xffff  }
0x142: {  	s13 =	simm.s32 $0x1C2E;
	s4 =	simm.s32 $0x1C30;
	v29 =	vadd.s32 s9, v19;
	v12 =	vadd.f32 v12, v18;
	v26 =	vimm.f32 $0.0e+00;
	v43 =	vld.idx.msk [tilespmem:v1+s3+$0x0], $0xffff  }
.LBB2_3:
0x143: {  	p0 =	sne.s32 s4, $0x1C78;
	v1 =	vbroadcast v50, $0x0;
	v50 =	vand.u32 $0xFFFFFFFD, v51;
	v51 =	vmov s13;
	v52 =	vld.idx.msk [tilespmem:v45+s3+$0x0], $0xffff  }
0x144: {  	v53 =	vbroadcast v50, $0x0;
	v45 =	vand.u32 $0xFFFFFFFE, v51;
	v51 =	vadd.s32 s7, v20;
	v54 =	vld.idx.msk [tilespmem:v46+s3+$0x0], $0xffff  }
0x145: {  	v56 =	vadd.s32 s6, v20;
	v57 =	vadd.s32 s8, v20;
	v44 =	vld.idx.msk [tilespmem:v44+s3+$0x0], $0xffff;
	v55 =	vbroadcast v45, $0x0  }
0x146: {  	v58 =	vadd.s32 s7, v19;
	v59 =	vadd.s32 s6, v19;
	v60 =	vadd.s32 s8, v19;
	v45 =	vld.idx.msk [tilespmem:v47+s3+$0x0], $0xffff  }
0x147: {  	v61 =	vadd.s32 s12, v13;
	v62 =	vadd.s32 s9, v13;
	v63 =	vadd.s32 s11, v13;
	v46 =	vld.idx.msk [tilespmem:v48+s3+$0x0], $0xffff  }
0x148: {  	v5 =	vadd.s32 s10, v13;
	v7 =	vadd.s32 s5, v13;
	v8 =	vadd.s32 s7, v13;
	v47 =	vld.idx.msk [tilespmem:v49+s3+$0x0], $0xffff  }
0x149: {  	v9 =	vmul.f32 v33, v33;
	v50 =	vadd.s32 s8, v13;
	v48 =	vld.idx.msk [tilespmem:v1+s3+$0x0], $0xffff;
	v1 =	vadd.s32 s6, v13  }
0x14a: {  	v18 =	vadd.f32 v32, v18;
	v10 =	vmul.f32 v38, v38;
	v49 =	vld.idx.msk [tilespmem:v53+s3+$0x0], $0xffff;
	v53 =	vmul.f32 v34, v34  }
0x14b: {  	v26 =	vadd.f32 v23, v26;
	v11 =	vmul.f32 v42, v42;
	v32 =	vld.idx.msk [tilespmem:v55+s3+$0x0], $0xffff;
	v55 =	vmul.f32 v40, v40  }
0x14c: {  	v17 =	vmul.f32 v52, v52;
	v23 =	vld.idx.msk [tilespmem:v35+s3+$0x0], $0xffff;
	v35 =	vmul.f32 v43, v43;
	v9 =	vadd.f32 v53, v9  }
0x14d: {  	v53 =	vmul.f32 v54, v54;
	v36 =	vld.idx.msk [tilespmem:v36+s3+$0x0], $0xffff;
	v10 =	vadd.f32 v55, v10  }
0x14e: {  	v33 =	vmul.f32 v33, v44;
	v54 =	vmul.f32 v54, v24;
	v37 =	vld.idx.msk [tilespmem:v37+s3+$0x0], $0xffff;
	v11 =	vadd.f32 v35, v11  }
0x14f: {  	v34 =	vmul.f32 v34, v45;
	v38 =	vmul.f32 v38, v46;
	v17 =	vadd.f32 v53, v17;
	v35 =	vld.idx.msk [tilespmem:v39+s3+$0x0], $0xffff  }
0x150: {  	v40 =	vmul.f32 v40, v47;
	v9 =	vadd.f32 v10, v9;
	v39 =	vld.idx.msk [tilespmem:v41+s3+$0x0], $0xffff;
	v41 =	vmul.f32 v42, v48  }
0x151: {  	v42 =	vmul.f32 v43, v49;
	v43 =	vmul.f32 v52, v32;
	v11 =	vadd.f32 v17, v11;
	v10 =	vld.idx.msk [tilespmem:v51+s3+$0x0], $0xffff  }
0x152: {  	v33 =	vadd.f32 v34, v33;
	v34 =	vadd.f32 v40, v38;
	v51 =	vmul.f32 v23, v44;
	v17 =	vld.idx.msk [tilespmem:v56+s3+$0x0], $0xffff  }
0x153: {  	v40 =	vmul.f32 v36, v45;
	v41 =	vadd.f32 v42, v41;
	v42 =	vadd.f32 v54, v43;
	v38 =	vld.idx.msk [tilespmem:v57+s3+$0x0], $0xffff  }
0x154: {  	v52 =	vmul.f32 v23, v23;
	v23 =	vadd.f32 v11, v9;
	v43 =	vmul.f32 v37, v46;
	v27 =	vld.idx.msk [tilespmem:v27+s3+$0x0], $0xffff  }
0x155: {  	v9 =	vmul.f32 v35, v47;
	v11 =	vld.idx.msk [tilespmem:v29+s3+$0x0], $0xffff;
	v29 =	vadd.f32 v34, v33;
	v33 =	vadd.f32 v42, v41  }
0x156: {  	v36 =	vmul.f32 v36, v36;
	v40 =	vadd.f32 v40, v51;
	v34 =	vmul.f32 v39, v48;
	v28 =	vld.idx.msk [tilespmem:v28+s3+$0x0], $0xffff  }
0x157: {  	v37 =	vmul.f32 v37, v37;
	v41 =	vmul.f32 v10, v49;
	v30 =	vld.idx.msk [tilespmem:v30+s3+$0x0], $0xffff;
	v29 =	vadd.f32 v33, v29  }
0x158: {  	v35 =	vmul.f32 v35, v35;
	v9 =	vadd.f32 v9, v43;
	v33 =	vmul.f32 v17, v32;
	v31 =	vld.idx.msk [tilespmem:v31+s3+$0x0], $0xffff  }
0x159: {  	v39 =	vmul.f32 v39, v39;
	v42 =	vmul.f32 v38, v24;
	v43 =	vld.idx.msk [tilespmem:v58+s3+$0x0], $0xffff;
	v16 =	vadd.f32 v29, v16  }
0x15a: {  	v10 =	vmul.f32 v10, v10;
	v29 =	vadd.f32 v41, v34;
	v41 =	vmul.f32 v27, v44;
	v34 =	vld.idx.msk [tilespmem:v59+s3+$0x0], $0xffff  }
0x15b: {  	v17 =	vmul.f32 v17, v17;
	v33 =	vadd.f32 v42, v33;
	v51 =	vmul.f32 v11, v45;
	v42 =	vld.idx.msk [tilespmem:v60+s3+$0x0], $0xffff  }
0x15c: {  	v36 =	vadd.f32 v36, v52;
	v38 =	vmul.f32 v38, v38;
	v52 =	vmul.f32 v28, v46;
	v53 =	vld.idx.msk [tilespmem:v61+s3+$0x0], $0xffff  }
0x15d: {  	v27 =	vmul.f32 v27, v27;
	v54 =	vmul.f32 v30, v47;
	v41 =	vadd.f32 v51, v41;
	v51 =	vld.idx.msk [tilespmem:v62+s3+$0x0], $0xffff  }
0x15e: {  	v35 =	vadd.f32 v35, v37;
	v11 =	vmul.f32 v11, v11;
	v37 =	vmul.f32 v31, v48;
	v55 =	vld.idx.msk [tilespmem:v63+s3+$0x0], $0xffff  }
0x15f: {  	v28 =	vmul.f32 v28, v28;
	v56 =	vmul.f32 v43, v49;
	v52 =	vadd.f32 v54, v52;
	v5 =	vld.idx.msk [tilespmem:v5+s3+$0x0], $0xffff  }
0x160: {  	v10 =	vadd.f32 v10, v39;
	v30 =	vmul.f32 v30, v30;
	v39 =	vmul.f32 v34, v32;
	v7 =	vld.idx.msk [tilespmem:v7+s3+$0x0], $0xffff  }
0x161: {  	v31 =	vmul.f32 v31, v31;
	v54 =	vmul.f32 v42, v24;
	v37 =	vadd.f32 v56, v37;
	v8 =	vld.idx.msk [tilespmem:v8+s3+$0x0], $0xffff  }
0x162: {  	v17 =	vadd.f32 v38, v17;
	v38 =	vmul.f32 v43, v43;
	v43 =	vmul.f32 v53, v44;
	v1 =	vld.idx.msk [tilespmem:v1+s3+$0x0], $0xffff  }
0x163: {  	v34 =	vmul.f32 v34, v34;
	v39 =	vadd.f32 v54, v39;
	v45 =	vmul.f32 v51, v45;
	v44 =	vld.idx.msk [tilespmem:v50+s3+$0x0], $0xffff  }
0x164: {  	v11 =	vadd.f32 v11, v27;
	v42 =	vmul.f32 v42, v42;
	v27 =	vmul.f32 v55, v46  }
0x165: {  	v46 =	vmul.f32 v5, v47;
	v43 =	vadd.f32 v45, v43;
	v45 =	vmul.f32 v53, v53  }
0x166: {  	v28 =	vadd.f32 v30, v28;
	v47 =	vmul.f32 v51, v51;
	v30 =	vmul.f32 v7, v48  }
0x167: {  	v48 =	vmul.f32 v8, v49;
	v27 =	vadd.f32 v46, v27;
	v46 =	vmul.f32 v55, v55  }
0x168: {  	v31 =	vadd.f32 v38, v31;
	v5 =	vmul.f32 v5, v5;
	v32 =	vmul.f32 v1, v32  }
0x169: {  	v7 =	vmul.f32 v7, v7;
	v24 =	vmul.f32 v44, v24;
	v30 =	vadd.f32 v48, v30  }
0x16a: {  	v34 =	vadd.f32 v42, v34;
	v8 =	vmul.f32 v8, v8;
	v1 =	vmul.f32 v1, v1  }
0x16b: {  	v38 =	vadd.f32 v47, v45;
	v24 =	vadd.f32 v24, v32;
	v32 =	vmul.f32 v44, v44  }
0x16c: {  	v5 =	vadd.f32 v5, v46;
	v7 =	vadd.f32 v8, v7  }
0x16d: {  	v8 =	vadd.f32 v9, v40;
	v1 =	vadd.f32 v32, v1  }
0x16e: {  	v9 =	vadd.f32 v33, v29;
	v29 =	vadd.f32 v52, v41  }
0x16f: {  	v27 =	vadd.f32 v27, v43;
	v32 =	vadd.f32 v39, v37  }
0x170: {  	v33 =	vadd.f32 v35, v36;
	v24 =	vadd.f32 v24, v30  }
0x171: {  	v10 =	vadd.f32 v17, v10;
	v11 =	vadd.f32 v28, v11  }
0x172: {  	v17 =	vadd.f32 v34, v31;
	v5 =	vadd.f32 v5, v38  }
0x173: {  	v8 =	vadd.f32 v9, v8;
	v1 =	vadd.f32 v1, v7  }
0x174: {  	v7 =	vadd.f32 v32, v29;
	v9 =	vadd.f32 v24, v27  }
0x175: {  	v11 =	vadd.f32 v17, v11;
	v10 =	vadd.f32 v10, v33  }
0x176: {  	v15 =	vadd.f32 v8, v15;
	v32 =	vadd.f32 v1, v5  }
0x177: {  	s5 =	sadd.s32 $0x7, s4;
	v14 =	vadd.f32 v7, v14;
	v12 =	vadd.f32 v9, v12  }
0x178: {  	s12 =	sadd.s32 $0xFFFFE3E0, s4;
	v22 =	vadd.f32 v11, v22;
	v25 =	vadd.f32 v10, v25;
	v1 =	vmov s5  }
0x179: {  	s9 =	sadd.s32 $0xFFFFE3E1, s4;
	v35 =	vadd.s32 s12, v20;
	v27 =	vadd.s32 s12, v19;
	v5 =	vadd.s32 s12, v21  }
0x17a: {  	s11 =	sadd.s32 $0xFFFFE3E2, s4;
	v36 =	vadd.s32 s9, v20;
	v29 =	vadd.s32 s9, v19;
	v7 =	vadd.s32 s9, v21  }
0x17b: {  	s10 =	sadd.s32 $0xFFFFE3E3, s4;
	v28 =	vadd.s32 s11, v19;
	v37 =	vadd.s32 s11, v20;
	v8 =	vadd.s32 s11, v21  }
0x17c: {  	v39 =	vadd.s32 s10, v20;
	v30 =	vadd.s32 s10, v19;
	s5 =	sadd.s32 $0xFFFFE3E4, s4;
	v9 =	vadd.s32 s10, v21  }
0x17d: {  	s7 =	sadd.s32 $0xFFFFE3E5, s4;
	s6 =	sadd.s32 $0xFFFFE3E6, s4;
	v41 =	vadd.s32 s5, v20;
	v31 =	vadd.s32 s5, v19;
	v24 =	vld.idx.msk [tilespmem:v1+s3+$0x0], $0xffff;
	v1 =	vadd.s32 s5, v21  }
0x17e: {  	s13 =	sadd.s32 $0x1, s4;
	s8 =	sadd.s32 $0xFFFFE3E7, s4;
	v45 =	vadd.s32 s6, v21;
	v10 =	vmov s4;
	v33 =	vld.idx.msk [tilespmem:v5+s3+$0x0], $0xffff;
	v5 =	vadd.s32 s7, v21  }
.Ltmp1:
0x17f: {  	v11 =	vmov s13;
	s13 =	sadd.s32 $0x2, s4;
	v46 =	vadd.s32 s8, v21;
	v10 =	vand.u32 $0xFFFFFFF8, v10;
	v34 =	vld.idx.msk [tilespmem:v7+s3+$0x0], $0xffff;
	(pc) =	sbr.rel @p0 .LBB2_3-.Ltmp1, $4  }
0x180: {  	v44 =	vbroadcast v10, $0x0;
	v10 =	vmov s13;
	s13 =	sadd.s32 $0x3, s4;
	v7 =	vand.u32 $0xFFFFFFF9, v11;
	v38 =	vld.idx.msk [tilespmem:v8+s3+$0x0], $0xffff  }
0x181: {  	v47 =	vbroadcast v7, $0x0;
	v7 =	vand.u32 $0xFFFFFFFA, v10;
	v8 =	vmov s13;
	s13 =	sadd.s32 $0x4, s4;
	v40 =	vld.idx.msk [tilespmem:v9+s3+$0x0], $0xffff  }
0x182: {  	v48 =	vbroadcast v7, $0x0;
	v7 =	vand.u32 $0xFFFFFFFB, v8;
	v8 =	vmov s13;
	s13 =	sadd.s32 $0x5, s4;
	v42 =	vld.idx.msk [tilespmem:v1+s3+$0x0], $0xffff  }
0x183: {  	v49 =	vbroadcast v7, $0x0;
	v50 =	vand.u32 $0xFFFFFFFC, v8;
	v51 =	vmov s13;
	s13 =	sadd.s32 $0x6, s4;
	s4 =	sadd.s32 $0x8, s4;
	v43 =	vld.idx.msk [tilespmem:v5+s3+$0x0], $0xffff  }
0x184: {  	_ =	sdelay $0x3  }
0x185: {  	v5 =	vld.idx.msk [tilespmem:v35+s3+$0x0], $0xffff  }
0x186: {  	v1 =	vadd.s32 s7, v20;
	v8 =	vld.idx.msk [tilespmem:v36+s3+$0x0], $0xffff  }
0x187: {  	v7 =	vadd.s32 s6, v20;
	v10 =	vld.idx.msk [tilespmem:v37+s3+$0x0], $0xffff  }
0x188: {  	v9 =	vadd.s32 s8, v20;
	v11 =	vld.idx.msk [tilespmem:v39+s3+$0x0], $0xffff  }
0x189: {  	v17 =	vld.idx.msk [tilespmem:v41+s3+$0x0], $0xffff  }
0x18a: {  	v57 =	vmov s13;
	v46 =	vld.idx.msk [tilespmem:v46+s3+$0x0], $0xffff  }
0x18b: {  	v20 =	vand.u32 $0xFFFFFFFE, v57;
	v1 =	vld.idx.msk [tilespmem:v1+s3+$0x0], $0xffff  }
0x18c: {  	v21 =	vbroadcast v50, $0x0;
	v58 =	vand.u32 $0xFFFFFFFD, v51;
	v20 =	vbroadcast v20, $0x0;
	v7 =	vld.idx.msk [tilespmem:v7+s3+$0x0], $0xffff  }
0x18d: {  	v37 =	vbroadcast v58, $0x0;
	v57 =	vmul.f32 v33, v33;
	v9 =	vld.idx.msk [tilespmem:v9+s3+$0x0], $0xffff  }
0x18e: {  	v52 =	vadd.s32 s7, v19;
	v50 =	vld.idx.msk [tilespmem:v44+s3+$0x0], $0xffff;
	v58 =	vmul.f32 v34, v34;
	v59 =	vmul.f32 v5, v5  }
0x18f: {  	v55 =	vadd.s32 s6, v19;
	v36 =	vmul.f32 v8, v8;
	v61 =	vmul.f32 v10, v10  }
0x190: {  	v56 =	vadd.s32 s8, v19;
	v62 =	vmul.f32 v11, v11;
	v63 =	vmul.f32 v17, v17  }
0x191: {  	v45 =	vld.idx.msk [tilespmem:v45+s3+$0x0], $0xffff;
	v57 =	vadd.f32 v58, v57;
	v58 =	vmul.f32 v46, v46;
	v60 =	vmul.f32 v1, v1  }
0x192: {  	v51 =	vadd.s32 s12, v13;
	v44 =	vld.idx.msk [tilespmem:v20+s3+$0x0], $0xffff;
	v53 =	vmul.f32 v7, v7;
	v54 =	vmul.f32 v9, v9  }
0x193: {  	v33 =	vmul.f32 v33, v50;
	v35 =	vadd.f32 v36, v59;
	v61 =	vadd.f32 v62, v61  }
0x194: {  	v59 =	vmul.f32 v38, v38;
	v41 =	vld.idx.msk [tilespmem:v37+s3+$0x0], $0xffff;
	v62 =	vadd.f32 v60, v63;
	v63 =	vadd.f32 v54, v53  }
0x195: {  	v47 =	vld.idx.msk [tilespmem:v47+s3+$0x0], $0xffff;
	v36 =	vadd.f32 v23, v26;
	v37 =	vmul.f32 v46, v24;
	v60 =	vadd.f32 v61, v35  }
0x196: {  	v48 =	vld.idx.msk [tilespmem:v48+s3+$0x0], $0xffff;
	v61 =	vmul.f32 v40, v40;
	v54 =	vmul.f32 v45, v45;
	v19 =	vadd.f32 v63, v62  }
0x197: {  	v49 =	vld.idx.msk [tilespmem:v49+s3+$0x0], $0xffff;
	v35 =	vadd.f32 v32, v18;
	v32 =	vmul.f32 v5, v50;
	v45 =	vmul.f32 v45, v44  }
0x198: {  	v39 =	vld.idx.msk [tilespmem:v21+s3+$0x0], $0xffff;
	v62 =	vmul.f32 v42, v42;
	v63 =	vmul.f32 v43, v43;
	v19 =	vadd.f32 v19, v60  }
0x199: {  	v18 =	vadd.f32 v61, v59;
	v21 =	vadd.f32 v58, v54;
	v43 =	vmul.f32 v43, v41;
	v60 =	vld [tilespmem:$0x1FFC0]  }
0x19a: {  	v58 =	vadd.s32 s9, v13;
	v23 =	vadd.f32 v63, v62;
	v19 =	vadd.f32 v19, v25  }
0x19b: {  	v26 =	vadd.f32 v18, v57;
	v25 =	vmul.f32 v34, v47;
	v34 =	vmul.f32 v38, v48  }
0x19c: {  	v57 =	vadd.f32 v21, v23;
	v21 =	vmul.f32 v10, v48;
	v38 =	vmax.f32 v19, $9.999999960e-13  }
0x19d: {  	v19 =	vmul.f32 v40, v49;
	v59 =	vshrl.u32 v38, $0x1;
	v53 =	vmul.f32 $5.000000000e-01, v38  }
0x19e: {  	v40 =	vmul.f32 v42, v39;
	v42 =	vmax.f32 v60, $9.999999960e-13;
	v20 =	vsub.s32 $0x5F3759DF, v59  }
0x19f: {  	v10 =	vld.idx.msk [tilespmem:v29+s3+$0x0], $0xffff;
	v62 =	vshrl.u32 v42, $0x1;
	v54 =	vmul.f32 $5.000000000e-01, v42;
	v61 =	vmul.f32 v20, v53  }
0x1a0: {  	v23 =	vmul.f32 v1, v41;
	v46 =	vsub.s32 $0x5F3759DF, v62;
	v62 =	vadd.f32 v19, v34;
	v34 =	vld.idx.msk [tilespmem:v30+s3+$0x0], $0xffff  }
0x1a1: {  	v5 =	vadd.f32 v25, v33;
	v60 =	vmul.f32 v46, v54;
	v63 =	vmul.f32 v20, v61  }
0x1a2: {  	v33 =	vmul.f32 v8, v47;
	v8 =	vld.idx.msk [tilespmem:v27+s3+$0x0], $0xffff;
	v25 =	vmul.f32 v11, v49;
	v27 =	vadd.s32 s10, v13  }
0x1a3: {  	v1 =	vld.idx.msk [tilespmem:v58+s3+$0x0], $0xffff;
	v19 =	vmul.f32 v9, v24;
	v61 =	vmul.f32 v46, v60;
	v18 =	vsub.f32 $1.500000000e+00, v63  }
0x1a4: {  	v59 =	vadd.s32 s11, v13;
	v58 =	vmul.f32 v10, v10;
	v29 =	vmul.f32 v10, v47;
	v60 =	vld.idx.msk [tilespmem:v28+s3+$0x0], $0xffff  }
0x1a5: {  	v10 =	vld.idx.msk [tilespmem:v56+s3+$0x0], $0xffff;
	v30 =	vmul.f32 v34, v49;
	v11 =	vmul.f32 v20, v18;
	v20 =	vsub.f32 $1.500000000e+00, v61  }
0x1a6: {  	v57 =	vadd.f32 v57, v26;
	v34 =	vmul.f32 v34, v34;
	v18 =	vmul.f32 v17, v39  }
0x1a7: {  	v40 =	vadd.f32 v43, v40;
	v17 =	vmul.f32 v7, v44;
	v7 =	vmul.f32 v46, v20;
	v46 =	vld.idx.msk [tilespmem:v31+s3+$0x0], $0xffff  }
0x1a8: {  	v36 =	vadd.f32 v57, v36;
	v63 =	vmul.f32 v11, v53;
	v20 =	vmul.f32 v8, v50;
	v31 =	vld.idx.msk [tilespmem:v51+s3+$0x0], $0xffff  }
0x1a9: {  	v43 =	vadd.f32 v37, v45;
	v8 =	vmul.f32 v8, v8;
	v51 =	vld.idx.msk [tilespmem:v55+s3+$0x0], $0xffff;
	v28 =	vmul.f32 v60, v48  }
0x1aa: {  	v36 =	vmax.f32 v36, $9.999999960e-13;
	v55 =	vld.idx.msk [tilespmem:v59+s3+$0x0], $0xffff;
	v60 =	vmul.f32 v60, v60;
	v59 =	vmul.f32 v10, v10  }
0x1ab: {  	v37 =	vadd.f32 v62, v5;
	v10 =	vmul.f32 v10, v24;
	v45 =	vmul.f32 v7, v54  }
0x1ac: {  	v52 =	vld.idx.msk [tilespmem:v52+s3+$0x0], $0xffff;
	v9 =	vmul.f32 v63, v11;
	v5 =	vadd.f32 v58, v8;
	v63 =	vadd.s32 s5, v13  }
0x1ad: {  	v58 =	vld.idx.msk [tilespmem:v27+s3+$0x0], $0xffff;
	v8 =	vadd.s32 s6, v13;
	v27 =	vmul.f32 v1, v47;
	v1 =	vmul.f32 v1, v1  }
0x1ae: {  	v61 =	vmul.f32 v45, v7;
	v9 =	vsub.f32 $1.500000000e+00, v9;
	v26 =	vmul.f32 v31, v50  }
0x1af: {  	v47 =	vadd.s32 s8, v13;
	v56 =	vmul.f32 v51, v51;
	v45 =	vmul.f32 v46, v39  }
0x1b0: {  	v62 =	vsub.f32 $1.500000000e+00, v61;
	v9 =	vmul.f32 v9, v11;
	v11 =	vadd.s32 s7, v13  }
0x1b1: {  	v34 =	vadd.f32 v34, v60;
	v61 =	vmul.f32 v46, v46;
	v13 =	vmul.f32 v55, v48  }
0x1b2: {  	v40 =	vadd.f32 v43, v40;
	v60 =	vld.idx.msk [tilespmem:v63+s3+$0x0], $0xffff;
	v7 =	vmul.f32 v62, v7;
	v62 =	vmul.f32 v52, v52  }
0x1b3: {  	v5 =	vadd.f32 v34, v5;
	v48 =	vmul.f32 v55, v55;
	v63 =	vmul.f32 v31, v31;
	v8 =	vld.idx.msk [tilespmem:v8+s3+$0x0], $0xffff  }
0x1b4: {  	v56 =	vadd.f32 v59, v56;
	v55 =	vld.idx.msk [tilespmem:v47+s3+$0x0], $0xffff;
	v50 =	vadd.f32 v62, v61;
	v61 =	vmul.f32 v9, v53  }
0x1b5: {  	v1 =	vadd.f32 v1, v63;
	v62 =	vmul.f32 v58, v58;
	v63 =	vmul.f32 v7, v54;
	v11 =	vld.idx.msk [tilespmem:v11+s3+$0x0], $0xffff  }
0x1b6: {  	v31 =	vmul.f32 v58, v49;
	v50 =	vadd.f32 v56, v50;
	v56 =	vmul.f32 v61, v9  }
0x1b7: {  	v47 =	vmul.f32 v52, v41;
	v48 =	vadd.f32 v62, v48;
	v58 =	vmul.f32 v63, v7  }
0x1b8: {  	v59 =	vmul.f32 v60, v60;
	v62 =	vmul.f32 v8, v8;
	v46 =	vsub.f32 $1.500000000e+00, v56  }
0x1b9: {  	v63 =	vmul.f32 v55, v55;
	v5 =	vadd.f32 v50, v5;
	v34 =	vsub.f32 $1.500000000e+00, v58  }
0x1ba: {  	v1 =	vadd.f32 v48, v1;
	v61 =	vmul.f32 v11, v11;
	v9 =	vmul.f32 v46, v9  }
0x1bb: {  	v5 =	vadd.f32 v5, v22;
	v46 =	vmul.f32 v51, v44;
	v7 =	vmul.f32 v34, v7  }
0x1bc: {  	v22 =	vadd.f32 v63, v62;
	v41 =	vmul.f32 v11, v41;
	v49 =	vadd.f32 v61, v59  }
0x1bd: {  	v56 =	vmul.f32 v9, v53;
	v34 =	vmax.f32 v5, $9.999999960e-13;
	v58 =	vmul.f32 v7, v54;
	v54 =	vld [tilespmem:$0x1FFD0]  }
0x1be: {  	v53 =	vmul.f32 v60, v39;
	v59 =	vshrl.u32 v34, $0x1;
	v52 =	vmul.f32 $5.000000000e-01, v34  }
0x1bf: {  	v60 =	vld [tilespmem:$0x1FFE0];
	v50 =	vmul.f32 v56, v9;
	v51 =	vsub.s32 $0x5F3759DF, v59;
	v5 =	vmul.f32 v58, v7  }
0x1c0: {  	v11 =	vmul.f32 v55, v24;
	v62 =	vadd.f32 v22, v49;
	v61 =	vmul.f32 v51, v52  }
0x1c1: {  	v22 =	vmul.f32 v8, v44;
	v63 =	vsub.f32 $1.500000000e+00, v50;
	v5 =	vsub.f32 $1.500000000e+00, v5  }
0x1c2: {  	v1 =	vadd.f32 v62, v1;
	v48 =	vmul.f32 v51, v61;
	v39 =	vmax.f32 v54, $9.999999960e-13  }
0x1c3: {  	v49 =	vmul.f32 v63, v9;
	v5 =	vmul.f32 v5, v7;
	v9 =	vshrl.u32 v39, $0x1  }
0x1c4: {  	v1 =	vadd.f32 v1, v35;
	v35 =	vmax.f32 v60, $9.999999960e-13;
	v50 =	vsub.f32 $1.500000000e+00, v48  }
0x1c5: {  	v9 =	vsub.s32 $0x5F3759DF, v9;
	v48 =	vmul.f32 $5.000000000e-01, v35;
	v8 =	vmul.f32 v49, v38  }
0x1c6: {  	v60 =	vld [tilespmem:$0x1FFF0];
	v61 =	vshrl.u32 v35, $0x1;
	v38 =	vmul.f32 $5.000000000e-01, v39;
	v5 =	vmul.f32 v5, v42  }
0x1c7: {  	v1 =	vmax.f32 v1, $9.999999960e-13;
	v24 =	vsub.s32 $0x5F3759DF, v61;
	v7 =	vmul.f32 v51, v50  }
0x1c8: {  	v59 =	vshrl.u32 v1, $0x1;
	v42 =	vmul.f32 $5.000000000e-01, v1;
	v55 =	vmul.f32 v9, v38  }
0x1c9: {  	v63 =	vmul.f32 v24, v48;
	v51 =	vmul.f32 $5.000000000e-01, v36;
	v8 =	vadd.f32 $1.000000010e-07, v8  }
0x1ca: {  	v5 =	vadd.f32 $1.000000010e-07, v5;
	v56 =	vmul.f32 v7, v52;
	v58 =	vmul.f32 v9, v55  }
0x1cb: {  	v54 =	vmax.f32 v60, $9.999999960e-13;
	v63 =	vmul.f32 v24, v63;
	(erf) = vrcp.f32 v8  }
0x1cc: {  	v61 =	vshrl.u32 v54, $0x1;
	(erf) = vrcp.f32 v5;
	v8 =	vsub.f32 $1.500000000e+00, v58  }
0x1cd: {  	v5 =	vmul.f32 v56, v7;
	v56 =	vmul.f32 $5.000000000e-01, v54;
	v55 =	vsub.s32 $0x5F3759DF, v61  }
0x1ce: {  	v43 =	vsub.f32 $1.500000000e+00, v63;
	v8 =	vmul.f32 v9, v8;
	v9 =	vsub.s32 $0x5F3759DF, v59  }
0x1cf: {  	v60 =	vmul.f32 v55, v56;
	v59 =	vshrl.u32 v36, $0x1;
	v62 =	vmul.f32 v9, v42  }
0x1d0: {  	v5 =	vsub.f32 $1.500000000e+00, v5;
	v24 =	vmul.f32 v24, v43;
	v50 =	vsub.s32 $0x5F3759DF, v59  }
0x1d1: {  	v32 =	vadd.f32 v33, v32;
	v44 =	vmul.f32 v9, v62;
	v62 =	vmul.f32 v50, v51  }
0x1d2: {  	v21 =	vadd.f32 v25, v21;
	v49 =	vmul.f32 v55, v60;
	v5 =	vmul.f32 v5, v7  }
0x1d3: {  	v61 =	vmul.f32 v8, v38;
	v44 =	vsub.f32 $1.500000000e+00, v44;
	v57 =	vmul.f32 v50, v62  }
0x1d4: {  	v37 =	vadd.f32 v40, v37;
	v58 =	vmul.f32 v24, v48;
	v59 =	vmul.f32 v5, v52  }
0x1d5: {  	v63 =	vmul.f32 v61, v8;
	v7 =	vmul.f32 v9, v44;
	v62 =	vsub.f32 $1.500000000e+00, v57  }
0x1d6: {  	v49 =	vsub.f32 $1.500000000e+00, v49;
	v61 =	vmul.f32 v58, v24;
	v59 =	vmul.f32 v59, v5  }
0x1d7: {  	v18 =	vadd.f32 v23, v18;
	v33 =	vmul.f32 v50, v62;
	v57 =	vmul.f32 v7, v42  }
0x1d8: {  	v43 =	vsub.f32 $1.500000000e+00, v63;
	v25 =	vsub.f32 $1.500000000e+00, v61;
	v44 =	vmul.f32 v55, v49  }
0x1d9: {  	v9 =	vadd.f32 v37, v16;
	v60 =	vmul.f32 v57, v7;
	v62 =	vmul.f32 v33, v51  }
0x1da: {  	v37 =	vsub.f32 $1.500000000e+00, v59;
	v8 =	vmul.f32 v43, v8;
	v63 =	vmul.f32 v44, v56  }
0x1db: {  	v24 =	vmul.f32 v25, v24;
	v55 =	vsub.f32 $1.500000000e+00, v60;
	v40 =	vmul.f32 v62, v33  }
0x1dc: {  	v17 =	vadd.f32 v19, v17;
	v57 =	vmul.f32 v8, v38;
	v16 =	vmul.f32 v63, v44  }
0x1dd: {  	v5 =	vmul.f32 v37, v5;
	v7 =	vmul.f32 v55, v7;
	v58 =	vsub.f32 $1.500000000e+00, v40  }
0x1de: {  	v23 =	vmul.f32 v57, v8;
	v16 =	vsub.f32 $1.500000000e+00, v16;
	v62 =	vmul.f32 v24, v48  }
0x1df: {  	v20 =	vadd.f32 v29, v20;
	v60 =	vmul.f32 v58, v33;
	v61 =	vmul.f32 v7, v42  }
0x1e0: {  	v28 =	vadd.f32 v30, v28;
	v16 =	vmul.f32 v16, v44;
	v29 =	vmul.f32 v62, v24  }
0x1e1: {  	v23 =	vsub.f32 $1.500000000e+00, v23;
	v25 =	vmul.f32 v61, v7;
	v63 =	vmul.f32 v60, v51  }
0x1e2: {  	v49 =	vmul.f32 v5, v52;
	v44 =	vmul.f32 v16, v56;
	v29 =	vsub.f32 $1.500000000e+00, v29  }
0x1e3: {  	v8 =	vmul.f32 v23, v8;
	v30 =	vmul.f32 v63, v60;
	v25 =	vsub.f32 $1.500000000e+00, v25  }
0x1e4: {  	v33 =	vadd.f32 v47, v45;
	v40 =	vmul.f32 v44, v16;
	v24 =	vmul.f32 v29, v24  }
0x1e5: {  	v23 =	vmul.f32 v49, v5;
	v45 =	vsub.f32 $1.500000000e+00, v30;
	v7 =	vmul.f32 v25, v7  }
0x1e6: {  	v50 =	vmul.f32 v8, v38;
	v47 =	vsub.f32 $1.500000000e+00, v40;
	v55 =	vmul.f32 v24, v48  }
0x1e7: {  	v26 =	vadd.f32 v27, v26;
	v19 =	vmul.f32 v45, v60;
	v52 =	vmul.f32 v7, v42  }
0x1e8: {  	v13 =	vadd.f32 v31, v13;
	v16 =	vmul.f32 v47, v16;
	v25 =	vmul.f32 v50, v8  }
0x1e9: {  	v23 =	vsub.f32 $1.500000000e+00, v23;
	v27 =	vmul.f32 v52, v7;
	v57 =	vmul.f32 v19, v51  }
0x1ea: {  	v30 =	vmul.f32 v55, v24;
	v25 =	vsub.f32 $1.500000000e+00, v25;
	v58 =	vmul.f32 v16, v56  }
0x1eb: {  	v5 =	vmul.f32 v23, v5;
	v59 =	vsub.f32 $1.500000000e+00, v27;
	v60 =	vmul.f32 v57, v19  }
0x1ec: {  	v61 =	vsub.f32 $1.500000000e+00, v30;
	v8 =	vmul.f32 v25, v8;
	v62 =	vmul.f32 v58, v16  }
0x1ed: {  	v5 =	vmul.f32 v5, v34;
	v7 =	vmul.f32 v59, v7;
	v63 =	vsub.f32 $1.500000000e+00, v60  }
0x1ee: {  	v24 =	vmul.f32 v61, v24;
	v8 =	vmul.f32 v8, v39;
	v31 =	vsub.f32 $1.500000000e+00, v62  }
0x1ef: {  	v5 =	vadd.f32 $1.000000010e-07, v5;
	v1 =	vmul.f32 v7, v1;
	v34 =	vmul.f32 v63, v19  }
0x1f0: {  	v35 =	vmul.f32 v24, v35;
	v16 =	vmul.f32 v31, v16;
	v8 =	vadd.f32 $1.000000010e-07, v8  }
0x1f1: {  	(erf) = vrcp.f32 v5;
	v36 =	vmul.f32 v34, v36;
	v1 =	vadd.f32 $1.000000010e-07, v1  }
0x1f2: {  	v38 =	vadd.f32 $1.000000010e-07, v35;
	(erf) = vrcp.f32 v8;
	v37 =	vmul.f32 v16, v54  }
0x1f3: {  	v53 =	vadd.f32 v41, v53;
	(erf) = vrcp.f32 v1;
	v39 =	vadd.f32 $1.000000010e-07, v36  }
0x1f4: {  	v11 =	vadd.f32 v11, v22;
	v7 =	vadd.f32 $1.000000010e-07, v37;
	(erf) = vrcp.f32 v38  }
0x1f5: {  	v10 =	vadd.f32 v10, v46;
	v41 =	vadd.f32 v17, v18;
	(erf) = vrcp.f32 v39  }
0x1f6: {  	v11 =	vadd.f32 v11, v53;
	v44 =	vadd.f32 v13, v26;
	(erf) = vrcp.f32 v7  }
0x1f7: {  	v49 =	vld [tilespmem:$0x1FF90];
	v43 =	vadd.f32 v10, v33;
	v40 =	vadd.f32 v21, v32;
	v45 =	vpop (erf)  }
0x1f8: {  	v10 =	vadd.f32 v11, v44;
	v42 =	vadd.f32 v28, v20;
	v46 =	vpop (erf)  }
0x1f9: {  	vm0 =	veq.s32 v6, $0x0;
	v5 =	vadd.f32 v41, v40;
	v8 =	vadd.f32 v46, v46  }
0x1fa: {  	vm1 =	veq.s32 v3, $0x0;
	v47 =	vpop (erf);
	v1 =	vadd.f32 v43, v42;
	v7 =	vadd.f32 v45, v45  }
0x1fb: {  	v5 =	vadd.f32 v5, v15;
	v8 =	vmin.f32 v8, $1.000000000e+00;
	v11 =	vadd.f32 v47, v47;
	v48 =	vpop (erf)  }
0x1fc: {  	v54 =	vld [tilespmem:$0x1FFA0];
	v8 =	vmul.f32 v8, v49;
	v1 =	vadd.f32 v1, v14;
	v7 =	vmin.f32 v7, $1.000000000e+00;
	v50 =	vpop (erf)  }
0x1fd: {  	v57 =	vld [tilespmem:$0x1FFB0];
	v11 =	vmin.f32 v11, $1.000000000e+00;
	v5 =	vmul.f32 v7, v5;
	v7 =	vadd.f32 v48, v48;
	v51 =	vpop (erf)  }
0x1fe: {  	v10 =	vadd.f32 v10, v12;
	v60 =	vld [tilespmem:$0x1FF80];
	v1 =	vmul.f32 v11, v1;
	v53 =	vadd.f32 v50, v50;
	v52 =	vpop (erf)  }
0x1ff: {  	v5 =	vadd.f32 v5, v8;
	v7 =	vmin.f32 v7, $1.000000000e+00;
	v8 =	vadd.f32 v51, v51;
	v55 =	vpop (erf)  }
0x200: {  	v12 =	vmin.f32 v53, $1.000000000e+00;
	v6 =	vadd.f32 v52, v52;
	v11 =	vadd.f32 v55, v55  }
0x201: {  	v7 =	vmul.f32 v7, v54;
	v56 =	vmul.f32 v12, v10;
	v8 =	vmin.f32 v8, $1.000000000e+00  }
0x202: {  	v8 =	vmul.f32 v8, v57;
	v6 =	vmin.f32 v6, $1.000000000e+00;
	v58 =	vmin.f32 v11, $1.000000000e+00  }
0x203: {  	v1 =	vadd.f32 v1, v7;
	v59 =	vmul.f32 v6, v9;
	v6 =	vmul.f32 v58, v60  }
0x204: {  	vm2 =	veq.s32 v4, $0x0;
	v61 =	vsel vm0, $0x0, v5;
	v7 =	vadd.f32 v56, v8  }
0x205: {  	v4 =	vadd.f32 v61, v0;
	v1 =	vsel vm1, $0x0, v1;
	v3 =	vadd.f32 v59, v6  }
0x206: {  	vm15 =	veq.s32 v2, $0x0;
	v1 =	vadd.f32 v1, v0;
	v62 =	vsel vm2, $0x0, v7  }
0x207: {  	[tilespmem:$0x1E80] =	vst v4;
	v2 =	vadd.f32 v62, v0;
	v3 =	vsel vm15, $0x0, v3  }
0x208: {  	[tilespmem:$0x1E90] =	vst v1;
	v63 =	vadd.f32 v3, v0  }
0x209: {  	s29 =	sshll.u32 s1, $0x3;
	s30 =	simm.s32 $0x0;
	[tilespmem:$0x1EA0] =	vst v2  }
0x20a: {  	s4 =	simm.s32 $0x1E80;
	s31 =	simm.s32 $0x4;
	s2 =	sadd.s32 s2, s29;
	[tilespmem:$0x1EB0] =	vst v63  }
0x20b: {  	[hbm4b:s2+s30] =	stream.linear.scatter [tilespmem:s4], [sflag:$0x4], $0x40, $0x38;
	[tilespmem:$0x1F00] =	vst v63  }
0x20c: {  	_ =	swait.ge [sflag:s31], $0x40  }
0x20d: {  	[sflag:s31] =	ssyncset.done $0x0  }
0x20e: {  	[sflag:s31] =	ssyncadd.s32 $0xFFFFFFC0  }
0x20f: {  	_ =	sfence.sel $0x180000  }
0x210: {  	[bflag:$0x0] =	sbarrier.arrive $0xFFFF  }
0x211: {  	p0 =	sne.s32 s1, $0x0;
	_ =	strace $0x90000047  }
0x212: {  	s0 =	sadd.s32 @!p0 $0x100000, s0;
	[bflag:$0x2] =	sbarrier.arrive $0xFFFF  }
0x213: {  	[sflag:s0] =	ssyncadd.tile.s32 @!p0 $0x1;
	_ =	shalt  }
.Lfunc_end2:
_tile_overlayer_lowered:
.L_overlay_start_2:
0x214: {  	(tag) =	ssettag $0x2  }
0x215: {  	s0 =	rddreg [dreg:$0x0];
	s2 =	stileid.u32  }
0x216: {  	s1 =	rddreg [dreg:$0x1];
	p0 =	sne.s32 s2, $0x0  }
0x217: {  	s3 =	rddreg [dreg:$0x2];
	[bflag:$0x3] =	sbarrier.arrive $0xFFFF;
	s2 =	simm.s32 @!p0 $0x1C04  }
0x218: {  	[timem:s3], [sflag:s2] =	dma.local @!p0 [hbm:s0], s1  }
0x219: {  	s0 =	simm.s32 @!p0 $0x4  }
0x21a: {  	_ =	swait.ge @!p0 [sflag:s0], s1  }
0x21b: {  	s1 =	ssub.s32 @!p0 $0x0, s1;
	[sflag:s0] =	ssyncset.done @!p0 $0x0  }
0x21c: {  	[sflag:s0] =	ssyncadd.s32 @!p0 s1  }
0x21d: {  	[bflag:$0x3] =	sbarrier.arrive $0xFFFF  }
0x21e: {  	_ =	shalt  }

</sc_bundles>
